<compile_context>
chip_gen: v7x
topology: tpu7x:2x2x1
jax: 0.10.2.dev20260603
libtpu: 0.0.44.dev20260713+nightly
codegen_flags: <defaults>
</compile_context>

<pallas_src>
import functools

import jax
import jax.numpy as jnp
from jax import lax
from jax.experimental import pallas as pl
from jax.experimental.pallas import tpu as pltpu
from jax.experimental.pallas import tpu_sc as plsc

VOCAB = 1000000
EMB = 64
T = 20
NB = 16384
B = NB * T
NC, NS = 2, 16
NW = NC * NS
B_PER_W = B // NW
NB_PER_W = NB // NW
CB = 16
CHUNK = CB * T
N_CHUNKS = B_PER_W // CHUNK
L = 16

_mesh = plsc.VectorSubcoreMesh(
    core_axis_name="c", subcore_axis_name="s", num_cores=NC, num_subcores=NS
)


@functools.partial(
    pl.kernel,
    out_type=jax.ShapeDtypeStruct((NB, T, EMB), jnp.float32),
    mesh=_mesh,
    scratch_types=[
        pltpu.VMEM((B_PER_W,), jnp.int32),
        [pltpu.VMEM((CHUNK, EMB), jnp.float32) for _ in range(2)],
        [pltpu.SemaphoreType.DMA for _ in range(2)],
        [pltpu.SemaphoreType.DMA for _ in range(2)],
    ],
)
def _gather(table_hbm, idx_hbm, out_hbm, idx_v, rows, gsem, ssem):
    wid = lax.axis_index("s") * NC + lax.axis_index("c")
    base = wid * B_PER_W
    batch0 = wid * NB_PER_W
    pltpu.sync_copy(idx_hbm.at[pl.ds(base, B_PER_W)], idx_v)

    def issue_gathers(c, b):
        def gbody(g, carry):
            r_vec = idx_v[pl.ds(c * CHUNK + g * L, L)]
            i0 = g * L
            for l in range(L):
                pltpu.async_copy(
                    table_hbm.at[pl.ds(r_vec[l], 1)],
                    rows[b].at[pl.ds(i0 + l, 1)],
                    gsem[b],
                )
            return carry

        lax.fori_loop(0, CHUNK // L, gbody, 0)

    def drain_gathers(b):
        pltpu.make_async_copy(
            table_hbm.at[pl.ds(0, CHUNK)], rows[b], gsem[b]
        ).wait()

    def start_stores(c, b):
        for q in range(CB):
            pltpu.async_copy(
                rows[b].at[pl.ds(q * T, T)],
                out_hbm.at[batch0 + c * CB + q],
                ssem[b],
            )

    def wait_stores(b):
        pltpu.make_async_copy(
            table_hbm.at[pl.ds(0, CHUNK)], rows[b], ssem[b]
        ).wait()

    issue_gathers(0, 0)

    def loop_body(k, carry):
        c0 = 2 * k
        c1 = c0 + 1

        @pl.when(k > 0)
        def _():
            wait_stores(1)

        issue_gathers(c1, 1)
        drain_gathers(0)
        start_stores(c0, 0)

        @pl.when(k < N_CHUNKS // 2 - 1)
        def _():
            wait_stores(0)
            issue_gathers(c0 + 2, 0)

        drain_gathers(1)
        start_stores(c1, 1)
        return carry

    lax.fori_loop(0, N_CHUNKS // 2, loop_body, 0)
    wait_stores(0)
    wait_stores(1)


def kernel(token_ids, weight):
    return _gather(weight, token_ids.reshape(-1))

# --- scband reference (transcript-rebuilt; emitter-appended) ---
"""Pipeline reference for scband-embedding-37735582663024 (READ-ONLY COPY).

The authoritative reference and input builder live on the scoring server;
editing this copy changes nothing except your own understanding.
"""

import jax, jax.numpy as jnp
import numpy as np

VOCAB = 1000000
EMB = 64

def setup_inputs(seed: int = 0) -> dict:
    key = jax.random.key(seed)
    k_idx, k_w = jax.random.split(key)
    token_ids = jax.random.randint(k_idx, (16384, 20), 0, VOCAB, dtype=jnp.int64 if jax.config.jax_enable_x64 else jnp.int32)
    weight = jax.random.normal(k_w, (VOCAB, EMB), dtype=jnp.float32)
    return {"token_ids": token_ids, "weight": weight}

def reference(token_ids, weight):
    # Faithful to torch: self.weight[token_ids]
    return jnp.take(weight, token_ids, axis=0)

if __name__ == "__main__":
    import jax
    _d = setup_inputs()
    print(jax.jit(kernel)(*tuple(_d.values())))

</pallas_src>

<mosaic_0001>
#map = affine_map<(d0, d1) -> (0, 0)>
#map1 = affine_map<(d0, d1) -> (0)>
#map2 = affine_map<(d0, d1) -> (0, 0, 0)>
module attributes {stable_mosaic.version = 14 : i64} {
  func.func @_gather(%arg0: i32, %arg1: i32, %arg2: memref<1000000x64xf32, #tpu.memory_space<hbm>>, %arg3: memref<327680xi32, #tpu.memory_space<hbm>>, %arg4: memref<16384x20x64xf32, #tpu.memory_space<hbm>>, %arg5: memref<10240xi32, #tpu.memory_space<vmem>>, %arg6: memref<320x64xf32, #tpu.memory_space<vmem>>, %arg7: memref<320x64xf32, #tpu.memory_space<vmem>>, %arg8: memref<!tpu.dma_semaphore, #tpu.memory_space<semaphore_mem>>, %arg9: memref<!tpu.dma_semaphore, #tpu.memory_space<semaphore_mem>>, %arg10: memref<!tpu.dma_semaphore, #tpu.memory_space<semaphore_mem>>, %arg11: memref<!tpu.dma_semaphore, #tpu.memory_space<semaphore_mem>>) attributes {dimension_semantics = [#tpu.dimension_semantics<core_parallel>, #tpu.dimension_semantics<subcore_parallel>], iteration_bounds = array<i64: 2, 16>, scalar_prefetch = 0 : i64, scratch_operands = 7 : i64, tpu.core_type = #tpu.core_type<sc_vector_subcore>, window_params = [{transform_indices = #map}, {transform_indices = #map1}, {transform_indices = #map2}]} {
    %mul3A = arith.constant 2 : i32
    %mul3A_0 = arith.muli %arg1, %mul3A : i32
    %add3A = arith.addi %mul3A_0, %arg0 : i32
    %mul3A_1 = arith.constant 10240 : i32
    %mul3A_2 = arith.muli %add3A, %mul3A_1 : i32
    %mul3A_3 = arith.constant 512 : i32
    %mul3A_4 = arith.muli %add3A, %mul3A_3 : i32
    "tpu.region"() ({
      %run_scoped3A = tpu.sem_alloc : memref<!tpu.dma_semaphore, #tpu.memory_space<semaphore_mem>>
      %dma_start3A = tpu.memref_slice %arg3[%mul3A_2] : memref<327680xi32, #tpu.memory_space<hbm>> -> memref<10240xi32, #tpu.memory_space<hbm>>
      %dma_start3A_27 = tpu.memref_slice %arg3[%mul3A_2] : memref<327680xi32, #tpu.memory_space<hbm>> -> memref<10240xi32, #tpu.memory_space<hbm>>
      tpu.enqueue_dma source(%dma_start3A_27 : memref<10240xi32, #tpu.memory_space<hbm>>) target(%arg5 : memref<10240xi32, #tpu.memory_space<vmem>>) target_semaphore(%run_scoped3A : memref<!tpu.dma_semaphore, #tpu.memory_space<semaphore_mem>>)
      %dma_wait3A_28 = tpu.memref_slice %arg3[%mul3A_2] : memref<327680xi32, #tpu.memory_space<hbm>> -> memref<10240xi32, #tpu.memory_space<hbm>>
      %dma_wait3A_29 = tpu.memref_slice %arg3[%mul3A_2] : memref<327680xi32, #tpu.memory_space<hbm>> -> memref<10240xi32, #tpu.memory_space<hbm>>
      tpu.wait_dma2 semaphore(%run_scoped3A : memref<!tpu.dma_semaphore, #tpu.memory_space<semaphore_mem>>) src(%dma_wait3A_29 : memref<10240xi32, #tpu.memory_space<hbm>>) dst(%arg5 : memref<10240xi32, #tpu.memory_space<vmem>>)
      tpu.yield
    }) : () -> ()
    %scan3A = arith.constant 0 : i32
    %scan3A_5 = arith.constant 0 : i32
    %scan3A_6 = arith.constant 20 : i32
    %scan3A_7 = arith.addi %scan3A_5, %scan3A_6 : i32
    %scan3A_8 = arith.constant 1 : i32
    scf.for %scan3A_27 = %scan3A_5 to %scan3A_7 step %scan3A_8  : i32 {
      %mul3A_28 = arith.constant 16 : i32
      %mul3A_29 = arith.muli %scan3A_27, %mul3A_28 : i32
      %add3A_30 = arith.constant 0 : i32
      %add3A_31 = arith.addi %add3A_30, %mul3A_29 : i32
      %get3A = arith.index_cast %add3A_31 : i32 to index
      %get3A_32 = tpu.vector_load %arg5[%get3A] {strides = array<i32>} : memref<10240xi32, #tpu.memory_space<vmem>>, vector<16xi32>,
      %get3A_33 = vector.shape_cast %get3A_32 : vector<16xi32> to vector<16xi32>
      %mul3A_34 = arith.constant 16 : i32
      %mul3A_35 = arith.muli %scan3A_27, %mul3A_34 : i32
      %slice3A = vector.extract_strided_slice %get3A_33 {offsets = [0], sizes = [1], strides = [1]} : vector<16xi32> to vector<1xi32>
      %squeeze3A = vector.extract %slice3A[0] : i32 from vector<1xi32>
      %add3A_36 = arith.constant 0 : i32
      %add3A_37 = arith.addi %mul3A_35, %add3A_36 : i32
      %dma_start3A = arith.constant 0 : i32
      %dma_start3A_38 = tpu.memref_slice %arg6[%add3A_37, %dma_start3A] : memref<320x64xf32, #tpu.memory_space<vmem>> -> memref<1x64xf32, #tpu.memory_space<vmem>>
      %dma_start3A_39 = arith.constant 0 : i32
      %dma_start3A_40 = tpu.memref_slice %arg2[%squeeze3A, %dma_start3A_39] : memref<1000000x64xf32, #tpu.memory_space<hbm>> -> memref<1x64xf32, #tpu.memory_space<hbm>>
      %dma_start3A_41 = arith.constant 0 : i32
      %dma_start3A_42 = tpu.memref_slice %arg6[%add3A_37, %dma_start3A_41] : memref<320x64xf32, #tpu.memory_space<vmem>> -> memref<1x64xf32, #tpu.memory_space<vmem>>
      %dma_start3A_43 = arith.constant 0 : i32
      %dma_start3A_44 = tpu.memref_slice %arg2[%squeeze3A, %dma_start3A_43] : memref<1000000x64xf32, #tpu.memory_space<hbm>> -> memref<1x64xf32, #tpu.memory_space<hbm>>
      tpu.enqueue_dma source(%dma_start3A_44 : memref<1x64xf32, #tpu.memory_space<hbm>>) target(%dma_start3A_42 : memref<1x64xf32, #tpu.memory_space<vmem>>) target_semaphore(%arg8 : memref<!tpu.dma_semaphore, #tpu.memory_space<semaphore_mem>>)
      %slice3A_45 = vector.extract_strided_slice %get3A_33 {offsets = [1], sizes = [1], strides = [1]} : vector<16xi32> to vector<1xi32>
      %squeeze3A_46 = vector.extract %slice3A_45[0] : i32 from vector<1xi32>
      %add3A_47 = arith.constant 1 : i32
      %add3A_48 = arith.addi %mul3A_35, %add3A_47 : i32
      %dma_start3A_49 = arith.constant 0 : i32
      %dma_start3A_50 = tpu.memref_slice %arg6[%add3A_48, %dma_start3A_49] : memref<320x64xf32, #tpu.memory_space<vmem>> -> memref<1x64xf32, #tpu.memory_space<vmem>>
      %dma_start3A_51 = arith.constant 0 : i32
      %dma_start3A_52 = tpu.memref_slice %arg2[%squeeze3A_46, %dma_start3A_51] : memref<1000000x64xf32, #tpu.memory_space<hbm>> -> memref<1x64xf32, #tpu.memory_space<hbm>>
      %dma_start3A_53 = arith.constant 0 : i32
      %dma_start3A_54 = tpu.memref_slice %arg6[%add3A_48, %dma_start3A_53] : memref<320x64xf32, #tpu.memory_space<vmem>> -> memref<1x64xf32, #tpu.memory_space<vmem>>
      %dma_start3A_55 = arith.constant 0 : i32
      %dma_start3A_56 = tpu.memref_slice %arg2[%squeeze3A_46, %dma_start3A_55] : memref<1000000x64xf32, #tpu.memory_space<hbm>> -> memref<1x64xf32, #tpu.memory_space<hbm>>
      tpu.enqueue_dma source(%dma_start3A_56 : memref<1x64xf32, #tpu.memory_space<hbm>>) target(%dma_start3A_54 : memref<1x64xf32, #tpu.memory_space<vmem>>) target_semaphore(%arg8 : memref<!tpu.dma_semaphore, #tpu.memory_space<semaphore_mem>>)
      %slice3A_57 = vector.extract_strided_slice %get3A_33 {offsets = [2], sizes = [1], strides = [1]} : vector<16xi32> to vector<1xi32>
      %squeeze3A_58 = vector.extract %slice3A_57[0] : i32 from vector<1xi32>
      %add3A_59 = arith.constant 2 : i32
      %add3A_60 = arith.addi %mul3A_35, %add3A_59 : i32
      %dma_start3A_61 = arith.constant 0 : i32
      %dma_start3A_62 = tpu.memref_slice %arg6[%add3A_60, %dma_start3A_61] : memref<320x64xf32, #tpu.memory_space<vmem>> -> memref<1x64xf32, #tpu.memory_space<vmem>>
      %dma_start3A_63 = arith.constant 0 : i32
      %dma_start3A_64 = tpu.memref_slice %arg2[%squeeze3A_58, %dma_start3A_63] : memref<1000000x64xf32, #tpu.memory_space<hbm>> -> memref<1x64xf32, #tpu.memory_space<hbm>>
      %dma_start3A_65 = arith.constant 0 : i32
      %dma_start3A_66 = tpu.memref_slice %arg6[%add3A_60, %dma_start3A_65] : memref<320x64xf32, #tpu.memory_space<vmem>> -> memref<1x64xf32, #tpu.memory_space<vmem>>
      %dma_start3A_67 = arith.constant 0 : i32
      %dma_start3A_68 = tpu.memref_slice %arg2[%squeeze3A_58, %dma_start3A_67] : memref<1000000x64xf32, #tpu.memory_space<hbm>> -> memref<1x64xf32, #tpu.memory_space<hbm>>
      tpu.enqueue_dma source(%dma_start3A_68 : memref<1x64xf32, #tpu.memory_space<hbm>>) target(%dma_start3A_66 : memref<1x64xf32, #tpu.memory_space<vmem>>) target_semaphore(%arg8 : memref<!tpu.dma_semaphore, #tpu.memory_space<semaphore_mem>>)
      %slice3A_69 = vector.extract_strided_slice %get3A_33 {offsets = [3], sizes = [1], strides = [1]} : vector<16xi32> to vector<1xi32>
      %squeeze3A_70 = vector.extract %slice3A_69[0] : i32 from vector<1xi32>
      %add3A_71 = arith.constant 3 : i32
      %add3A_72 = arith.addi %mul3A_35, %add3A_71 : i32
      %dma_start3A_73 = arith.constant 0 : i32
      %dma_start3A_74 = tpu.memref_slice %arg6[%add3A_72, %dma_start3A_73] : memref<320x64xf32, #tpu.memory_space<vmem>> -> memref<1x64xf32, #tpu.memory_space<vmem>>
      %dma_start3A_75 = arith.constant 0 : i32
      %dma_start3A_76 = tpu.memref_slice %arg2[%squeeze3A_70, %dma_start3A_75] : memref<1000000x64xf32, #tpu.memory_space<hbm>> -> memref<1x64xf32, #tpu.memory_space<hbm>>
      %dma_start3A_77 = arith.constant 0 : i32
      %dma_start3A_78 = tpu.memref_slice %arg6[%add3A_72, %dma_start3A_77] : memref<320x64xf32, #tpu.memory_space<vmem>> -> memref<1x64xf32, #tpu.memory_space<vmem>>
      %dma_start3A_79 = arith.constant 0 : i32
      %dma_start3A_80 = tpu.memref_slice %arg2[%squeeze3A_70, %dma_start3A_79] : memref<1000000x64xf32, #tpu.memory_space<hbm>> -> memref<1x64xf32, #tpu.memory_space<hbm>>
      tpu.enqueue_dma source(%dma_start3A_80 : memref<1x64xf32, #tpu.memory_space<hbm>>) target(%dma_start3A_78 : memref<1x64xf32, #tpu.memory_space<vmem>>) target_semaphore(%arg8 : memref<!tpu.dma_semaphore, #tpu.memory_space<semaphore_mem>>)
      %slice3A_81 = vector.extract_strided_slice %get3A_33 {offsets = [4], sizes = [1], strides = [1]} : vector<16xi32> to vector<1xi32>
      %squeeze3A_82 = vector.extract %slice3A_81[0] : i32 from vector<1xi32>
      %add3A_83 = arith.constant 4 : i32
      %add3A_84 = arith.addi %mul3A_35, %add3A_83 : i32
      %dma_start3A_85 = arith.constant 0 : i32
      %dma_start3A_86 = tpu.memref_slice %arg6[%add3A_84, %dma_start3A_85] : memref<320x64xf32, #tpu.memory_space<vmem>> -> memref<1x64xf32, #tpu.memory_space<vmem>>
      %dma_start3A_87 = arith.constant 0 : i32
      %dma_start3A_88 = tpu.memref_slice %arg2[%squeeze3A_82, %dma_start3A_87] : memref<1000000x64xf32, #tpu.memory_space<hbm>> -> memref<1x64xf32, #tpu.memory_space<hbm>>
      %dma_start3A_89 = arith.constant 0 : i32
      %dma_start3A_90 = tpu.memref_slice %arg6[%add3A_84, %dma_start3A_89] : memref<320x64xf32, #tpu.memory_space<vmem>> -> memref<1x64xf32, #tpu.memory_space<vmem>>
      %dma_start3A_91 = arith.constant 0 : i32
      %dma_start3A_92 = tpu.memref_slice %arg2[%squeeze3A_82, %dma_start3A_91] : memref<1000000x64xf32, #tpu.memory_space<hbm>> -> memref<1x64xf32, #tpu.memory_space<hbm>>
      tpu.enqueue_dma source(%dma_start3A_92 : memref<1x64xf32, #tpu.memory_space<hbm>>) target(%dma_start3A_90 : memref<1x64xf32, #tpu.memory_space<vmem>>) target_semaphore(%arg8 : memref<!tpu.dma_semaphore, #tpu.memory_space<semaphore_mem>>)
      %slice3A_93 = vector.extract_strided_slice %get3A_33 {offsets = [5], sizes = [1], strides = [1]} : vector<16xi32> to vector<1xi32>
      %squeeze3A_94 = vector.extract %slice3A_93[0] : i32 from vector<1xi32>
      %add3A_95 = arith.constant 5 : i32
      %add3A_96 = arith.addi %mul3A_35, %add3A_95 : i32
      %dma_start3A_97 = arith.constant 0 : i32
      %dma_start3A_98 = tpu.memref_slice %arg6[%add3A_96, %dma_start3A_97] : memref<320x64xf32, #tpu.memory_space<vmem>> -> memref<1x64xf32, #tpu.memory_space<vmem>>
      %dma_start3A_99 = arith.constant 0 : i32
      %dma_start3A_100 = tpu.memref_slice %arg2[%squeeze3A_94, %dma_start3A_99] : memref<1000000x64xf32, #tpu.memory_space<hbm>> -> memref<1x64xf32, #tpu.memory_space<hbm>>
      %dma_start3A_101 = arith.constant 0 : i32
      %dma_start3A_102 = tpu.memref_slice %arg6[%add3A_96, %dma_start3A_101] : memref<320x64xf32, #tpu.memory_space<vmem>> -> memref<1x64xf32, #tpu.memory_space<vmem>>
      %dma_start3A_103 = arith.constant 0 : i32
      %dma_start3A_104 = tpu.memref_slice %arg2[%squeeze3A_94, %dma_start3A_103] : memref<1000000x64xf32, #tpu.memory_space<hbm>> -> memref<1x64xf32, #tpu.memory_space<hbm>>
      tpu.enqueue_dma source(%dma_start3A_104 : memref<1x64xf32, #tpu.memory_space<hbm>>) target(%dma_start3A_102 : memref<1x64xf32, #tpu.memory_space<vmem>>) target_semaphore(%arg8 : memref<!tpu.dma_semaphore, #tpu.memory_space<semaphore_mem>>)
      %slice3A_105 = vector.extract_strided_slice %get3A_33 {offsets = [6], sizes = [1], strides = [1]} : vector<16xi32> to vector<1xi32>
      %squeeze3A_106 = vector.extract %slice3A_105[0] : i32 from vector<1xi32>
      %add3A_107 = arith.constant 6 : i32
      %add3A_108 = arith.addi %mul3A_35, %add3A_107 : i32
      %dma_start3A_109 = arith.constant 0 : i32
      %dma_start3A_110 = tpu.memref_slice %arg6[%add3A_108, %dma_start3A_109] : memref<320x64xf32, #tpu.memory_space<vmem>> -> memref<1x64xf32, #tpu.memory_space<vmem>>
      %dma_start3A_111 = arith.constant 0 : i32
      %dma_start3A_112 = tpu.memref_slice %arg2[%squeeze3A_106, %dma_start3A_111] : memref<1000000x64xf32, #tpu.memory_space<hbm>> -> memref<1x64xf32, #tpu.memory_space<hbm>>
      %dma_start3A_113 = arith.constant 0 : i32
      %dma_start3A_114 = tpu.memref_slice %arg6[%add3A_108, %dma_start3A_113] : memref<320x64xf32, #tpu.memory_space<vmem>> -> memref<1x64xf32, #tpu.memory_space<vmem>>
      %dma_start3A_115 = arith.constant 0 : i32
      %dma_start3A_116 = tpu.memref_slice %arg2[%squeeze3A_106, %dma_start3A_115] : memref<1000000x64xf32, #tpu.memory_space<hbm>> -> memref<1x64xf32, #tpu.memory_space<hbm>>
      tpu.enqueue_dma source(%dma_start3A_116 : memref<1x64xf32, #tpu.memory_space<hbm>>) target(%dma_start3A_114 : memref<1x64xf32, #tpu.memory_space<vmem>>) target_semaphore(%arg8 : memref<!tpu.dma_semaphore, #tpu.memory_space<semaphore_mem>>)
      %slice3A_117 = vector.extract_strided_slice %get3A_33 {offsets = [7], sizes = [1], strides = [1]} : vector<16xi32> to vector<1xi32>
      %squeeze3A_118 = vector.extract %slice3A_117[0] : i32 from vector<1xi32>
      %add3A_119 = arith.constant 7 : i32
      %add3A_120 = arith.addi %mul3A_35, %add3A_119 : i32
      %dma_start3A_121 = arith.constant 0 : i32
      %dma_start3A_122 = tpu.memref_slice %arg6[%add3A_120, %dma_start3A_121] : memref<320x64xf32, #tpu.memory_space<vmem>> -> memref<1x64xf32, #tpu.memory_space<vmem>>
      %dma_start3A_123 = arith.constant 0 : i32
      %dma_start3A_124 = tpu.memref_slice %arg2[%squeeze3A_118, %dma_start3A_123] : memref<1000000x64xf32, #tpu.memory_space<hbm>> -> memref<1x64xf32, #tpu.memory_space<hbm>>
      %dma_start3A_125 = arith.constant 0 : i32
      %dma_start3A_126 = tpu.memref_slice %arg6[%add3A_120, %dma_start3A_125] : memref<320x64xf32, #tpu.memory_space<vmem>> -> memref<1x64xf32, #tpu.memory_space<vmem>>
      %dma_start3A_127 = arith.constant 0 : i32
      %dma_start3A_128 = tpu.memref_slice %arg2[%squeeze3A_118, %dma_start3A_127] : memref<1000000x64xf32, #tpu.memory_space<hbm>> -> memref<1x64xf32, #tpu.memory_space<hbm>>
      tpu.enqueue_dma source(%dma_start3A_128 : memref<1x64xf32, #tpu.memory_space<hbm>>) target(%dma_start3A_126 : memref<1x64xf32, #tpu.memory_space<vmem>>) target_semaphore(%arg8 : memref<!tpu.dma_semaphore, #tpu.memory_space<semaphore_mem>>)
      %slice3A_129 = vector.extract_strided_slice %get3A_33 {offsets = [8], sizes = [1], strides = [1]} : vector<16xi32> to vector<1xi32>
      %squeeze3A_130 = vector.extract %slice3A_129[0] : i32 from vector<1xi32>
      %add3A_131 = arith.constant 8 : i32
      %add3A_132 = arith.addi %mul3A_35, %add3A_131 : i32
      %dma_start3A_133 = arith.constant 0 : i32
      %dma_start3A_134 = tpu.memref_slice %arg6[%add3A_132, %dma_start3A_133] : memref<320x64xf32, #tpu.memory_space<vmem>> -> memref<1x64xf32, #tpu.memory_space<vmem>>
      %dma_start3A_135 = arith.constant 0 : i32
      %dma_start3A_136 = tpu.memref_slice %arg2[%squeeze3A_130, %dma_start3A_135] : memref<1000000x64xf32, #tpu.memory_space<hbm>> -> memref<1x64xf32, #tpu.memory_space<hbm>>
      %dma_start3A_137 = arith.constant 0 : i32
      %dma_start3A_138 = tpu.memref_slice %arg6[%add3A_132, %dma_start3A_137] : memref<320x64xf32, #tpu.memory_space<vmem>> -> memref<1x64xf32, #tpu.memory_space<vmem>>
      %dma_start3A_139 = arith.constant 0 : i32
      %dma_start3A_140 = tpu.memref_slice %arg2[%squeeze3A_130, %dma_start3A_139] : memref<1000000x64xf32, #tpu.memory_space<hbm>> -> memref<1x64xf32, #tpu.memory_space<hbm>>
      tpu.enqueue_dma source(%dma_start3A_140 : memref<1x64xf32, #tpu.memory_space<hbm>>) target(%dma_start3A_138 : memref<1x64xf32, #tpu.memory_space<vmem>>) target_semaphore(%arg8 : memref<!tpu.dma_semaphore, #tpu.memory_space<semaphore_mem>>)
      %slice3A_141 = vector.extract_strided_slice %get3A_33 {offsets = [9], sizes = [1], strides = [1]} : vector<16xi32> to vector<1xi32>
      %squeeze3A_142 = vector.extract %slice3A_141[0] : i32 from vector<1xi32>
      %add3A_143 = arith.constant 9 : i32
      %add3A_144 = arith.addi %mul3A_35, %add3A_143 : i32
      %dma_start3A_145 = arith.constant 0 : i32
      %dma_start3A_146 = tpu.memref_slice %arg6[%add3A_144, %dma_start3A_145] : memref<320x64xf32, #tpu.memory_space<vmem>> -> memref<1x64xf32, #tpu.memory_space<vmem>>
      %dma_start3A_147 = arith.constant 0 : i32
      %dma_start3A_148 = tpu.memref_slice %arg2[%squeeze3A_142, %dma_start3A_147] : memref<1000000x64xf32, #tpu.memory_space<hbm>> -> memref<1x64xf32, #tpu.memory_space<hbm>>
      %dma_start3A_149 = arith.constant 0 : i32
      %dma_start3A_150 = tpu.memref_slice %arg6[%add3A_144, %dma_start3A_149] : memref<320x64xf32, #tpu.memory_space<vmem>> -> memref<1x64xf32, #tpu.memory_space<vmem>>
      %dma_start3A_151 = arith.constant 0 : i32
      %dma_start3A_152 = tpu.memref_slice %arg2[%squeeze3A_142, %dma_start3A_151] : memref<1000000x64xf32, #tpu.memory_space<hbm>> -> memref<1x64xf32, #tpu.memory_space<hbm>>
      tpu.enqueue_dma source(%dma_start3A_152 : memref<1x64xf32, #tpu.memory_space<hbm>>) target(%dma_start3A_150 : memref<1x64xf32, #tpu.memory_space<vmem>>) target_semaphore(%arg8 : memref<!tpu.dma_semaphore, #tpu.memory_space<semaphore_mem>>)
      %slice3A_153 = vector.extract_strided_slice %get3A_33 {offsets = [10], sizes = [1], strides = [1]} : vector<16xi32> to vector<1xi32>
      %squeeze3A_154 = vector.extract %slice3A_153[0] : i32 from vector<1xi32>
      %add3A_155 = arith.constant 10 : i32
      %add3A_156 = arith.addi %mul3A_35, %add3A_155 : i32
      %dma_start3A_157 = arith.constant 0 : i32
      %dma_start3A_158 = tpu.memref_slice %arg6[%add3A_156, %dma_start3A_157] : memref<320x64xf32, #tpu.memory_space<vmem>> -> memref<1x64xf32, #tpu.memory_space<vmem>>
      %dma_start3A_159 = arith.constant 0 : i32
      %dma_start3A_160 = tpu.memref_slice %arg2[%squeeze3A_154, %dma_start3A_159] : memref<1000000x64xf32, #tpu.memory_space<hbm>> -> memref<1x64xf32, #tpu.memory_space<hbm>>
      %dma_start3A_161 = arith.constant 0 : i32
      %dma_start3A_162 = tpu.memref_slice %arg6[%add3A_156, %dma_start3A_161] : memref<320x64xf32, #tpu.memory_space<vmem>> -> memref<1x64xf32, #tpu.memory_space<vmem>>
      %dma_start3A_163 = arith.constant 0 : i32
      %dma_start3A_164 = tpu.memref_slice %arg2[%squeeze3A_154, %dma_start3A_163] : memref<1000000x64xf32, #tpu.memory_space<hbm>> -> memref<1x64xf32, #tpu.memory_space<hbm>>
      tpu.enqueue_dma source(%dma_start3A_164 : memref<1x64xf32, #tpu.memory_space<hbm>>) target(%dma_start3A_162 : memref<1x64xf32, #tpu.memory_space<vmem>>) target_semaphore(%arg8 : memref<!tpu.dma_semaphore, #tpu.memory_space<semaphore_mem>>)
      %slice3A_165 = vector.extract_strided_slice %get3A_33 {offsets = [11], sizes = [1], strides = [1]} : vector<16xi32> to vector<1xi32>
      %squeeze3A_166 = vector.extract %slice3A_165[0] : i32 from vector<1xi32>
      %add3A_167 = arith.constant 11 : i32
      %add3A_168 = arith.addi %mul3A_35, %add3A_167 : i32
      %dma_start3A_169 = arith.constant 0 : i32
      %dma_start3A_170 = tpu.memref_slice %arg6[%add3A_168, %dma_start3A_169] : memref<320x64xf32, #tpu.memory_space<vmem>> -> memref<1x64xf32, #tpu.memory_space<vmem>>
      %dma_start3A_171 = arith.constant 0 : i32
      %dma_start3A_172 = tpu.memref_slice %arg2[%squeeze3A_166, %dma_start3A_171] : memref<1000000x64xf32, #tpu.memory_space<hbm>> -> memref<1x64xf32, #tpu.memory_space<hbm>>
      %dma_start3A_173 = arith.constant 0 : i32
      %dma_start3A_174 = tpu.memref_slice %arg6[%add3A_168, %dma_start3A_173] : memref<320x64xf32, #tpu.memory_space<vmem>> -> memref<1x64xf32, #tpu.memory_space<vmem>>
      %dma_start3A_175 = arith.constant 0 : i32
      %dma_start3A_176 = tpu.memref_slice %arg2[%squeeze3A_166, %dma_start3A_175] : memref<1000000x64xf32, #tpu.memory_space<hbm>> -> memref<1x64xf32, #tpu.memory_space<hbm>>
      tpu.enqueue_dma source(%dma_start3A_176 : memref<1x64xf32, #tpu.memory_space<hbm>>) target(%dma_start3A_174 : memref<1x64xf32, #tpu.memory_space<vmem>>) target_semaphore(%arg8 : memref<!tpu.dma_semaphore, #tpu.memory_space<semaphore_mem>>)
      %slice3A_177 = vector.extract_strided_slice %get3A_33 {offsets = [12], sizes = [1], strides = [1]} : vector<16xi32> to vector<1xi32>
      %squeeze3A_178 = vector.extract %slice3A_177[0] : i32 from vector<1xi32>
      %add3A_179 = arith.constant 12 : i32
      %add3A_180 = arith.addi %mul3A_35, %add3A_179 : i32
      %dma_start3A_181 = arith.constant 0 : i32
      %dma_start3A_182 = tpu.memref_slice %arg6[%add3A_180, %dma_start3A_181] : memref<320x64xf32, #tpu.memory_space<vmem>> -> memref<1x64xf32, #tpu.memory_space<vmem>>
      %dma_start3A_183 = arith.constant 0 : i32
      %dma_start3A_184 = tpu.memref_slice %arg2[%squeeze3A_178, %dma_start3A_183] : memref<1000000x64xf32, #tpu.memory_space<hbm>> -> memref<1x64xf32, #tpu.memory_space<hbm>>
      %dma_start3A_185 = arith.constant 0 : i32
      %dma_start3A_186 = tpu.memref_slice %arg6[%add3A_180, %dma_start3A_185] : memref<320x64xf32, #tpu.memory_space<vmem>> -> memref<1x64xf32, #tpu.memory_space<vmem>>
      %dma_start3A_187 = arith.constant 0 : i32
      %dma_start3A_188 = tpu.memref_slice %arg2[%squeeze3A_178, %dma_start3A_187] : memref<1000000x64xf32, #tpu.memory_space<hbm>> -> memref<1x64xf32, #tpu.memory_space<hbm>>
      tpu.enqueue_dma source(%dma_start3A_188 : memref<1x64xf32, #tpu.memory_space<hbm>>) target(%dma_start3A_186 : memref<1x64xf32, #tpu.memory_space<vmem>>) target_semaphore(%arg8 : memref<!tpu.dma_semaphore, #tpu.memory_space<semaphore_mem>>)
      %slice3A_189 = vector.extract_strided_slice %get3A_33 {offsets = [13], sizes = [1], strides = [1]} : vector<16xi32> to vector<1xi32>
      %squeeze3A_190 = vector.extract %slice3A_189[0] : i32 from vector<1xi32>
      %add3A_191 = arith.constant 13 : i32
      %add3A_192 = arith.addi %mul3A_35, %add3A_191 : i32
      %dma_start3A_193 = arith.constant 0 : i32
      %dma_start3A_194 = tpu.memref_slice %arg6[%add3A_192, %dma_start3A_193] : memref<320x64xf32, #tpu.memory_space<vmem>> -> memref<1x64xf32, #tpu.memory_space<vmem>>
      %dma_start3A_195 = arith.constant 0 : i32
      %dma_start3A_196 = tpu.memref_slice %arg2[%squeeze3A_190, %dma_start3A_195] : memref<1000000x64xf32, #tpu.memory_space<hbm>> -> memref<1x64xf32, #tpu.memory_space<hbm>>
      %dma_start3A_197 = arith.constant 0 : i32
      %dma_start3A_198 = tpu.memref_slice %arg6[%add3A_192, %dma_start3A_197] : memref<320x64xf32, #tpu.memory_space<vmem>> -> memref<1x64xf32, #tpu.memory_space<vmem>>
      %dma_start3A_199 = arith.constant 0 : i32
      %dma_start3A_200 = tpu.memref_slice %arg2[%squeeze3A_190, %dma_start3A_199] : memref<1000000x64xf32, #tpu.memory_space<hbm>> -> memref<1x64xf32, #tpu.memory_space<hbm>>
      tpu.enqueue_dma source(%dma_start3A_200 : memref<1x64xf32, #tpu.memory_space<hbm>>) target(%dma_start3A_198 : memref<1x64xf32, #tpu.memory_space<vmem>>) target_semaphore(%arg8 : memref<!tpu.dma_semaphore, #tpu.memory_space<semaphore_mem>>)
      %slice3A_201 = vector.extract_strided_slice %get3A_33 {offsets = [14], sizes = [1], strides = [1]} : vector<16xi32> to vector<1xi32>
      %squeeze3A_202 = vector.extract %slice3A_201[0] : i32 from vector<1xi32>
      %add3A_203 = arith.constant 14 : i32
      %add3A_204 = arith.addi %mul3A_35, %add3A_203 : i32
      %dma_start3A_205 = arith.constant 0 : i32
      %dma_start3A_206 = tpu.memref_slice %arg6[%add3A_204, %dma_start3A_205] : memref<320x64xf32, #tpu.memory_space<vmem>> -> memref<1x64xf32, #tpu.memory_space<vmem>>
      %dma_start3A_207 = arith.constant 0 : i32
      %dma_start3A_208 = tpu.memref_slice %arg2[%squeeze3A_202, %dma_start3A_207] : memref<1000000x64xf32, #tpu.memory_space<hbm>> -> memref<1x64xf32, #tpu.memory_space<hbm>>
      %dma_start3A_209 = arith.constant 0 : i32
      %dma_start3A_210 = tpu.memref_slice %arg6[%add3A_204, %dma_start3A_209] : memref<320x64xf32, #tpu.memory_space<vmem>> -> memref<1x64xf32, #tpu.memory_space<vmem>>
      %dma_start3A_211 = arith.constant 0 : i32
      %dma_start3A_212 = tpu.memref_slice %arg2[%squeeze3A_202, %dma_start3A_211] : memref<1000000x64xf32, #tpu.memory_space<hbm>> -> memref<1x64xf32, #tpu.memory_space<hbm>>
      tpu.enqueue_dma source(%dma_start3A_212 : memref<1x64xf32, #tpu.memory_space<hbm>>) target(%dma_start3A_210 : memref<1x64xf32, #tpu.memory_space<vmem>>) target_semaphore(%arg8 : memref<!tpu.dma_semaphore, #tpu.memory_space<semaphore_mem>>)
      %slice3A_213 = vector.extract_strided_slice %get3A_33 {offsets = [15], sizes = [1], strides = [1]} : vector<16xi32> to vector<1xi32>
      %squeeze3A_214 = vector.extract %slice3A_213[0] : i32 from vector<1xi32>
      %add3A_215 = arith.constant 15 : i32
      %add3A_216 = arith.addi %mul3A_35, %add3A_215 : i32
      %dma_start3A_217 = arith.constant 0 : i32
      %dma_start3A_218 = tpu.memref_slice %arg6[%add3A_216, %dma_start3A_217] : memref<320x64xf32, #tpu.memory_space<vmem>> -> memref<1x64xf32, #tpu.memory_space<vmem>>
      %dma_start3A_219 = arith.constant 0 : i32
      %dma_start3A_220 = tpu.memref_slice %arg2[%squeeze3A_214, %dma_start3A_219] : memref<1000000x64xf32, #tpu.memory_space<hbm>> -> memref<1x64xf32, #tpu.memory_space<hbm>>
      %dma_start3A_221 = arith.constant 0 : i32
      %dma_start3A_222 = tpu.memref_slice %arg6[%add3A_216, %dma_start3A_221] : memref<320x64xf32, #tpu.memory_space<vmem>> -> memref<1x64xf32, #tpu.memory_space<vmem>>
      %dma_start3A_223 = arith.constant 0 : i32
      %dma_start3A_224 = tpu.memref_slice %arg2[%squeeze3A_214, %dma_start3A_223] : memref<1000000x64xf32, #tpu.memory_space<hbm>> -> memref<1x64xf32, #tpu.memory_space<hbm>>
      tpu.enqueue_dma source(%dma_start3A_224 : memref<1x64xf32, #tpu.memory_space<hbm>>) target(%dma_start3A_222 : memref<1x64xf32, #tpu.memory_space<vmem>>) target_semaphore(%arg8 : memref<!tpu.dma_semaphore, #tpu.memory_space<semaphore_mem>>)
    }
    %scan3A_9 = arith.constant 20 : i32
    %scan3A_10 = arith.constant 0 : i32
    %scan3A_11 = arith.constant 0 : i32
    %scan3A_12 = arith.constant 16 : i32
    %scan3A_13 = arith.addi %scan3A_11, %scan3A_12 : i32
    %scan3A_14 = arith.constant 1 : i32
    scf.for %scan3A_27 = %scan3A_11 to %scan3A_13 step %scan3A_14  : i32 {
      %mul3A_28 = arith.constant 2 : i32
      %mul3A_29 = arith.muli %mul3A_28, %scan3A_27 : i32
      %add3A_30 = arith.constant 1 : i32
      %add3A_31 = arith.addi %mul3A_29, %add3A_30 : i32
      %gt3A = arith.constant 0 : i32
      %gt3A_32 = arith.cmpi sgt, %scan3A_27, %gt3A : i32
      %convert_element_type3A = arith.extui %gt3A_32 : i1 to i32
      %cond3A = arith.constant 0 : i32
      %cond3A_33 = arith.cmpi ne, %convert_element_type3A, %cond3A : i32
      scf.if %cond3A_33 {
        %dma_wait3A_663 = arith.constant 0 : i32
        %dma_wait3A_664 = arith.constant 0 : i32
        %dma_wait3A_665 = tpu.memref_slice %arg2[%dma_wait3A_663, %dma_wait3A_664] : memref<1000000x64xf32, #tpu.memory_space<hbm>> -> memref<320x64xf32, #tpu.memory_space<hbm>>
        %dma_wait3A_666 = arith.constant 0 : i32
        %dma_wait3A_667 = arith.constant 0 : i32
        %dma_wait3A_668 = tpu.memref_slice %arg2[%dma_wait3A_666, %dma_wait3A_667] : memref<1000000x64xf32, #tpu.memory_space<hbm>> -> memref<320x64xf32, #tpu.memory_space<hbm>>
        tpu.wait_dma2 semaphore(%arg11 : memref<!tpu.dma_semaphore, #tpu.memory_space<semaphore_mem>>) src(%dma_wait3A_668 : memref<320x64xf32, #tpu.memory_space<hbm>>) dst(%arg7 : memref<320x64xf32, #tpu.memory_space<vmem>>)
      } else {
      }
      %scan3A_34 = arith.constant 0 : i32
      %scan3A_35 = arith.constant 0 : i32
      %scan3A_36 = arith.constant 20 : i32
      %scan3A_37 = arith.addi %scan3A_35, %scan3A_36 : i32
      %scan3A_38 = arith.constant 1 : i32
      scf.for %scan3A_663 = %scan3A_35 to %scan3A_37 step %scan3A_38  : i32 {
        %mul3A_664 = arith.constant 320 : i32
        %mul3A_665 = arith.muli %add3A_31, %mul3A_664 : i32
        %mul3A_666 = arith.constant 16 : i32
        %mul3A_667 = arith.muli %scan3A_663, %mul3A_666 : i32
        %add3A_668 = arith.addi %mul3A_665, %mul3A_667 : i32
        %get3A = arith.index_cast %add3A_668 : i32 to index
        %get3A_669 = tpu.vector_load %arg5[%get3A] {strides = array<i32>} : memref<10240xi32, #tpu.memory_space<vmem>>, vector<16xi32>,
        %get3A_670 = vector.shape_cast %get3A_669 : vector<16xi32> to vector<16xi32>
        %mul3A_671 = arith.constant 16 : i32
        %mul3A_672 = arith.muli %scan3A_663, %mul3A_671 : i32
        %slice3A = vector.extract_strided_slice %get3A_670 {offsets = [0], sizes = [1], strides = [1]} : vector<16xi32> to vector<1xi32>
        %squeeze3A = vector.extract %slice3A[0] : i32 from vector<1xi32>
        %add3A_673 = arith.constant 0 : i32
        %add3A_674 = arith.addi %mul3A_672, %add3A_673 : i32
        %dma_start3A_675 = arith.constant 0 : i32
        %dma_start3A_676 = tpu.memref_slice %arg7[%add3A_674, %dma_start3A_675] : memref<320x64xf32, #tpu.memory_space<vmem>> -> memref<1x64xf32, #tpu.memory_space<vmem>>
        %dma_start3A_677 = arith.constant 0 : i32
        %dma_start3A_678 = tpu.memref_slice %arg2[%squeeze3A, %dma_start3A_677] : memref<1000000x64xf32, #tpu.memory_space<hbm>> -> memref<1x64xf32, #tpu.memory_space<hbm>>
        %dma_start3A_679 = arith.constant 0 : i32
        %dma_start3A_680 = tpu.memref_slice %arg7[%add3A_674, %dma_start3A_679] : memref<320x64xf32, #tpu.memory_space<vmem>> -> memref<1x64xf32, #tpu.memory_space<vmem>>
        %dma_start3A_681 = arith.constant 0 : i32
        %dma_start3A_682 = tpu.memref_slice %arg2[%squeeze3A, %dma_start3A_681] : memref<1000000x64xf32, #tpu.memory_space<hbm>> -> memref<1x64xf32, #tpu.memory_space<hbm>>
        tpu.enqueue_dma source(%dma_start3A_682 : memref<1x64xf32, #tpu.memory_space<hbm>>) target(%dma_start3A_680 : memref<1x64xf32, #tpu.memory_space<vmem>>) target_semaphore(%arg9 : memref<!tpu.dma_semaphore, #tpu.memory_space<semaphore_mem>>)
        %slice3A_683 = vector.extract_strided_slice %get3A_670 {offsets = [1], sizes = [1], strides = [1]} : vector<16xi32> to vector<1xi32>
        %squeeze3A_684 = vector.extract %slice3A_683[0] : i32 from vector<1xi32>
        %add3A_685 = arith.constant 1 : i32
        %add3A_686 = arith.addi %mul3A_672, %add3A_685 : i32
        %dma_start3A_687 = arith.constant 0 : i32
        %dma_start3A_688 = tpu.memref_slice %arg7[%add3A_686, %dma_start3A_687] : memref<320x64xf32, #tpu.memory_space<vmem>> -> memref<1x64xf32, #tpu.memory_space<vmem>>
        %dma_start3A_689 = arith.constant 0 : i32
        %dma_start3A_690 = tpu.memref_slice %arg2[%squeeze3A_684, %dma_start3A_689] : memref<1000000x64xf32, #tpu.memory_space<hbm>> -> memref<1x64xf32, #tpu.memory_space<hbm>>
        %dma_start3A_691 = arith.constant 0 : i32
        %dma_start3A_692 = tpu.memref_slice %arg7[%add3A_686, %dma_start3A_691] : memref<320x64xf32, #tpu.memory_space<vmem>> -> memref<1x64xf32, #tpu.memory_space<vmem>>
        %dma_start3A_693 = arith.constant 0 : i32
        %dma_start3A_694 = tpu.memref_slice %arg2[%squeeze3A_684, %dma_start3A_693] : memref<1000000x64xf32, #tpu.memory_space<hbm>> -> memref<1x64xf32, #tpu.memory_space<hbm>>
        tpu.enqueue_dma source(%dma_start3A_694 : memref<1x64xf32, #tpu.memory_space<hbm>>) target(%dma_start3A_692 : memref<1x64xf32, #tpu.memory_space<vmem>>) target_semaphore(%arg9 : memref<!tpu.dma_semaphore, #tpu.memory_space<semaphore_mem>>)
        %slice3A_695 = vector.extract_strided_slice %get3A_670 {offsets = [2], sizes = [1], strides = [1]} : vector<16xi32> to vector<1xi32>
        %squeeze3A_696 = vector.extract %slice3A_695[0] : i32 from vector<1xi32>
        %add3A_697 = arith.constant 2 : i32
        %add3A_698 = arith.addi %mul3A_672, %add3A_697 : i32
        %dma_start3A_699 = arith.constant 0 : i32
        %dma_start3A_700 = tpu.memref_slice %arg7[%add3A_698, %dma_start3A_699] : memref<320x64xf32, #tpu.memory_space<vmem>> -> memref<1x64xf32, #tpu.memory_space<vmem>>
        %dma_start3A_701 = arith.constant 0 : i32
        %dma_start3A_702 = tpu.memref_slice %arg2[%squeeze3A_696, %dma_start3A_701] : memref<1000000x64xf32, #tpu.memory_space<hbm>> -> memref<1x64xf32, #tpu.memory_space<hbm>>
        %dma_start3A_703 = arith.constant 0 : i32
        %dma_start3A_704 = tpu.memref_slice %arg7[%add3A_698, %dma_start3A_703] : memref<320x64xf32, #tpu.memory_space<vmem>> -> memref<1x64xf32, #tpu.memory_space<vmem>>
        %dma_start3A_705 = arith.constant 0 : i32
        %dma_start3A_706 = tpu.memref_slice %arg2[%squeeze3A_696, %dma_start3A_705] : memref<1000000x64xf32, #tpu.memory_space<hbm>> -> memref<1x64xf32, #tpu.memory_space<hbm>>
        tpu.enqueue_dma source(%dma_start3A_706 : memref<1x64xf32, #tpu.memory_space<hbm>>) target(%dma_start3A_704 : memref<1x64xf32, #tpu.memory_space<vmem>>) target_semaphore(%arg9 : memref<!tpu.dma_semaphore, #tpu.memory_space<semaphore_mem>>)
        %slice3A_707 = vector.extract_strided_slice %get3A_670 {offsets = [3], sizes = [1], strides = [1]} : vector<16xi32> to vector<1xi32>
        %squeeze3A_708 = vector.extract %slice3A_707[0] : i32 from vector<1xi32>
        %add3A_709 = arith.constant 3 : i32
        %add3A_710 = arith.addi %mul3A_672, %add3A_709 : i32
        %dma_start3A_711 = arith.constant 0 : i32
        %dma_start3A_712 = tpu.memref_slice %arg7[%add3A_710, %dma_start3A_711] : memref<320x64xf32, #tpu.memory_space<vmem>> -> memref<1x64xf32, #tpu.memory_space<vmem>>
        %dma_start3A_713 = arith.constant 0 : i32
        %dma_start3A_714 = tpu.memref_slice %arg2[%squeeze3A_708, %dma_start3A_713] : memref<1000000x64xf32, #tpu.memory_space<hbm>> -> memref<1x64xf32, #tpu.memory_space<hbm>>
        %dma_start3A_715 = arith.constant 0 : i32
        %dma_start3A_716 = tpu.memref_slice %arg7[%add3A_710, %dma_start3A_715] : memref<320x64xf32, #tpu.memory_space<vmem>> -> memref<1x64xf32, #tpu.memory_space<vmem>>
        %dma_start3A_717 = arith.constant 0 : i32
        %dma_start3A_718 = tpu.memref_slice %arg2[%squeeze3A_708, %dma_start3A_717] : memref<1000000x64xf32, #tpu.memory_space<hbm>> -> memref<1x64xf32, #tpu.memory_space<hbm>>
        tpu.enqueue_dma source(%dma_start3A_718 : memref<1x64xf32, #tpu.memory_space<hbm>>) target(%dma_start3A_716 : memref<1x64xf32, #tpu.memory_space<vmem>>) target_semaphore(%arg9 : memref<!tpu.dma_semaphore, #tpu.memory_space<semaphore_mem>>)
        %slice3A_719 = vector.extract_strided_slice %get3A_670 {offsets = [4], sizes = [1], strides = [1]} : vector<16xi32> to vector<1xi32>
        %squeeze3A_720 = vector.extract %slice3A_719[0] : i32 from vector<1xi32>
        %add3A_721 = arith.constant 4 : i32
        %add3A_722 = arith.addi %mul3A_672, %add3A_721 : i32
        %dma_start3A_723 = arith.constant 0 : i32
        %dma_start3A_724 = tpu.memref_slice %arg7[%add3A_722, %dma_start3A_723] : memref<320x64xf32, #tpu.memory_space<vmem>> -> memref<1x64xf32, #tpu.memory_space<vmem>>
        %dma_start3A_725 = arith.constant 0 : i32
        %dma_start3A_726 = tpu.memref_slice %arg2[%squeeze3A_720, %dma_start3A_725] : memref<1000000x64xf32, #tpu.memory_space<hbm>> -> memref<1x64xf32, #tpu.memory_space<hbm>>
        %dma_start3A_727 = arith.constant 0 : i32
        %dma_start3A_728 = tpu.memref_slice %arg7[%add3A_722, %dma_start3A_727] : memref<320x64xf32, #tpu.memory_space<vmem>> -> memref<1x64xf32, #tpu.memory_space<vmem>>
        %dma_start3A_729 = arith.constant 0 : i32
        %dma_start3A_730 = tpu.memref_slice %arg2[%squeeze3A_720, %dma_start3A_729] : memref<1000000x64xf32, #tpu.memory_space<hbm>> -> memref<1x64xf32, #tpu.memory_space<hbm>>
        tpu.enqueue_dma source(%dma_start3A_730 : memref<1x64xf32, #tpu.memory_space<hbm>>) target(%dma_start3A_728 : memref<1x64xf32, #tpu.memory_space<vmem>>) target_semaphore(%arg9 : memref<!tpu.dma_semaphore, #tpu.memory_space<semaphore_mem>>)
        %slice3A_731 = vector.extract_strided_slice %get3A_670 {offsets = [5], sizes = [1], strides = [1]} : vector<16xi32> to vector<1xi32>
        %squeeze3A_732 = vector.extract %slice3A_731[0] : i32 from vector<1xi32>
        %add3A_733 = arith.constant 5 : i32
        %add3A_734 = arith.addi %mul3A_672, %add3A_733 : i32
        %dma_start3A_735 = arith.constant 0 : i32
        %dma_start3A_736 = tpu.memref_slice %arg7[%add3A_734, %dma_start3A_735] : memref<320x64xf32, #tpu.memory_space<vmem>> -> memref<1x64xf32, #tpu.memory_space<vmem>>
        %dma_start3A_737 = arith.constant 0 : i32
        %dma_start3A_738 = tpu.memref_slice %arg2[%squeeze3A_732, %dma_start3A_737] : memref<1000000x64xf32, #tpu.memory_space<hbm>> -> memref<1x64xf32, #tpu.memory_space<hbm>>
        %dma_start3A_739 = arith.constant 0 : i32
        %dma_start3A_740 = tpu.memref_slice %arg7[%add3A_734, %dma_start3A_739] : memref<320x64xf32, #tpu.memory_space<vmem>> -> memref<1x64xf32, #tpu.memory_space<vmem>>
        %dma_start3A_741 = arith.constant 0 : i32
        %dma_start3A_742 = tpu.memref_slice %arg2[%squeeze3A_732, %dma_start3A_741] : memref<1000000x64xf32, #tpu.memory_space<hbm>> -> memref<1x64xf32, #tpu.memory_space<hbm>>
        tpu.enqueue_dma source(%dma_start3A_742 : memref<1x64xf32, #tpu.memory_space<hbm>>) target(%dma_start3A_740 : memref<1x64xf32, #tpu.memory_space<vmem>>) target_semaphore(%arg9 : memref<!tpu.dma_semaphore, #tpu.memory_space<semaphore_mem>>)
        %slice3A_743 = vector.extract_strided_slice %get3A_670 {offsets = [6], sizes = [1], strides = [1]} : vector<16xi32> to vector<1xi32>
        %squeeze3A_744 = vector.extract %slice3A_743[0] : i32 from vector<1xi32>
        %add3A_745 = arith.constant 6 : i32
        %add3A_746 = arith.addi %mul3A_672, %add3A_745 : i32
        %dma_start3A_747 = arith.constant 0 : i32
        %dma_start3A_748 = tpu.memref_slice %arg7[%add3A_746, %dma_start3A_747] : memref<320x64xf32, #tpu.memory_space<vmem>> -> memref<1x64xf32, #tpu.memory_space<vmem>>
        %dma_start3A_749 = arith.constant 0 : i32
        %dma_start3A_750 = tpu.memref_slice %arg2[%squeeze3A_744, %dma_start3A_749] : memref<1000000x64xf32, #tpu.memory_space<hbm>> -> memref<1x64xf32, #tpu.memory_space<hbm>>
        %dma_start3A_751 = arith.constant 0 : i32
        %dma_start3A_752 = tpu.memref_slice %arg7[%add3A_746, %dma_start3A_751] : memref<320x64xf32, #tpu.memory_space<vmem>> -> memref<1x64xf32, #tpu.memory_space<vmem>>
        %dma_start3A_753 = arith.constant 0 : i32
        %dma_start3A_754 = tpu.memref_slice %arg2[%squeeze3A_744, %dma_start3A_753] : memref<1000000x64xf32, #tpu.memory_space<hbm>> -> memref<1x64xf32, #tpu.memory_space<hbm>>
        tpu.enqueue_dma source(%dma_start3A_754 : memref<1x64xf32, #tpu.memory_space<hbm>>) target(%dma_start3A_752 : memref<1x64xf32, #tpu.memory_space<vmem>>) target_semaphore(%arg9 : memref<!tpu.dma_semaphore, #tpu.memory_space<semaphore_mem>>)
        %slice3A_755 = vector.extract_strided_slice %get3A_670 {offsets = [7], sizes = [1], strides = [1]} : vector<16xi32> to vector<1xi32>
        %squeeze3A_756 = vector.extract %slice3A_755[0] : i32 from vector<1xi32>
        %add3A_757 = arith.constant 7 : i32
        %add3A_758 = arith.addi %mul3A_672, %add3A_757 : i32
        %dma_start3A_759 = arith.constant 0 : i32
        %dma_start3A_760 = tpu.memref_slice %arg7[%add3A_758, %dma_start3A_759] : memref<320x64xf32, #tpu.memory_space<vmem>> -> memref<1x64xf32, #tpu.memory_space<vmem>>
        %dma_start3A_761 = arith.constant 0 : i32
        %dma_start3A_762 = tpu.memref_slice %arg2[%squeeze3A_756, %dma_start3A_761] : memref<1000000x64xf32, #tpu.memory_space<hbm>> -> memref<1x64xf32, #tpu.memory_space<hbm>>
        %dma_start3A_763 = arith.constant 0 : i32
        %dma_start3A_764 = tpu.memref_slice %arg7[%add3A_758, %dma_start3A_763] : memref<320x64xf32, #tpu.memory_space<vmem>> -> memref<1x64xf32, #tpu.memory_space<vmem>>
        %dma_start3A_765 = arith.constant 0 : i32
        %dma_start3A_766 = tpu.memref_slice %arg2[%squeeze3A_756, %dma_start3A_765] : memref<1000000x64xf32, #tpu.memory_space<hbm>> -> memref<1x64xf32, #tpu.memory_space<hbm>>
        tpu.enqueue_dma source(%dma_start3A_766 : memref<1x64xf32, #tpu.memory_space<hbm>>) target(%dma_start3A_764 : memref<1x64xf32, #tpu.memory_space<vmem>>) target_semaphore(%arg9 : memref<!tpu.dma_semaphore, #tpu.memory_space<semaphore_mem>>)
        %slice3A_767 = vector.extract_strided_slice %get3A_670 {offsets = [8], sizes = [1], strides = [1]} : vector<16xi32> to vector<1xi32>
        %squeeze3A_768 = vector.extract %slice3A_767[0] : i32 from vector<1xi32>
        %add3A_769 = arith.constant 8 : i32
        %add3A_770 = arith.addi %mul3A_672, %add3A_769 : i32
        %dma_start3A_771 = arith.constant 0 : i32
        %dma_start3A_772 = tpu.memref_slice %arg7[%add3A_770, %dma_start3A_771] : memref<320x64xf32, #tpu.memory_space<vmem>> -> memref<1x64xf32, #tpu.memory_space<vmem>>
        %dma_start3A_773 = arith.constant 0 : i32
        %dma_start3A_774 = tpu.memref_slice %arg2[%squeeze3A_768, %dma_start3A_773] : memref<1000000x64xf32, #tpu.memory_space<hbm>> -> memref<1x64xf32, #tpu.memory_space<hbm>>
        %dma_start3A_775 = arith.constant 0 : i32
        %dma_start3A_776 = tpu.memref_slice %arg7[%add3A_770, %dma_start3A_775] : memref<320x64xf32, #tpu.memory_space<vmem>> -> memref<1x64xf32, #tpu.memory_space<vmem>>
        %dma_start3A_777 = arith.constant 0 : i32
        %dma_start3A_778 = tpu.memref_slice %arg2[%squeeze3A_768, %dma_start3A_777] : memref<1000000x64xf32, #tpu.memory_space<hbm>> -> memref<1x64xf32, #tpu.memory_space<hbm>>
        tpu.enqueue_dma source(%dma_start3A_778 : memref<1x64xf32, #tpu.memory_space<hbm>>) target(%dma_start3A_776 : memref<1x64xf32, #tpu.memory_space<vmem>>) target_semaphore(%arg9 : memref<!tpu.dma_semaphore, #tpu.memory_space<semaphore_mem>>)
        %slice3A_779 = vector.extract_strided_slice %get3A_670 {offsets = [9], sizes = [1], strides = [1]} : vector<16xi32> to vector<1xi32>
        %squeeze3A_780 = vector.extract %slice3A_779[0] : i32 from vector<1xi32>
        %add3A_781 = arith.constant 9 : i32
        %add3A_782 = arith.addi %mul3A_672, %add3A_781 : i32
        %dma_start3A_783 = arith.constant 0 : i32
        %dma_start3A_784 = tpu.memref_slice %arg7[%add3A_782, %dma_start3A_783] : memref<320x64xf32, #tpu.memory_space<vmem>> -> memref<1x64xf32, #tpu.memory_space<vmem>>
        %dma_start3A_785 = arith.constant 0 : i32
        %dma_start3A_786 = tpu.memref_slice %arg2[%squeeze3A_780, %dma_start3A_785] : memref<1000000x64xf32, #tpu.memory_space<hbm>> -> memref<1x64xf32, #tpu.memory_space<hbm>>
        %dma_start3A_787 = arith.constant 0 : i32
        %dma_start3A_788 = tpu.memref_slice %arg7[%add3A_782, %dma_start3A_787] : memref<320x64xf32, #tpu.memory_space<vmem>> -> memref<1x64xf32, #tpu.memory_space<vmem>>
        %dma_start3A_789 = arith.constant 0 : i32
        %dma_start3A_790 = tpu.memref_slice %arg2[%squeeze3A_780, %dma_start3A_789] : memref<1000000x64xf32, #tpu.memory_space<hbm>> -> memref<1x64xf32, #tpu.memory_space<hbm>>
        tpu.enqueue_dma source(%dma_start3A_790 : memref<1x64xf32, #tpu.memory_space<hbm>>) target(%dma_start3A_788 : memref<1x64xf32, #tpu.memory_space<vmem>>) target_semaphore(%arg9 : memref<!tpu.dma_semaphore, #tpu.memory_space<semaphore_mem>>)
        %slice3A_791 = vector.extract_strided_slice %get3A_670 {offsets = [10], sizes = [1], strides = [1]} : vector<16xi32> to vector<1xi32>
        %squeeze3A_792 = vector.extract %slice3A_791[0] : i32 from vector<1xi32>
        %add3A_793 = arith.constant 10 : i32
        %add3A_794 = arith.addi %mul3A_672, %add3A_793 : i32
        %dma_start3A_795 = arith.constant 0 : i32
        %dma_start3A_796 = tpu.memref_slice %arg7[%add3A_794, %dma_start3A_795] : memref<320x64xf32, #tpu.memory_space<vmem>> -> memref<1x64xf32, #tpu.memory_space<vmem>>
        %dma_start3A_797 = arith.constant 0 : i32
        %dma_start3A_798 = tpu.memref_slice %arg2[%squeeze3A_792, %dma_start3A_797] : memref<1000000x64xf32, #tpu.memory_space<hbm>> -> memref<1x64xf32, #tpu.memory_space<hbm>>
        %dma_start3A_799 = arith.constant 0 : i32
        %dma_start3A_800 = tpu.memref_slice %arg7[%add3A_794, %dma_start3A_799] : memref<320x64xf32, #tpu.memory_space<vmem>> -> memref<1x64xf32, #tpu.memory_space<vmem>>
        %dma_start3A_801 = arith.constant 0 : i32
        %dma_start3A_802 = tpu.memref_slice %arg2[%squeeze3A_792, %dma_start3A_801] : memref<1000000x64xf32, #tpu.memory_space<hbm>> -> memref<1x64xf32, #tpu.memory_space<hbm>>
        tpu.enqueue_dma source(%dma_start3A_802 : memref<1x64xf32, #tpu.memory_space<hbm>>) target(%dma_start3A_800 : memref<1x64xf32, #tpu.memory_space<vmem>>) target_semaphore(%arg9 : memref<!tpu.dma_semaphore, #tpu.memory_space<semaphore_mem>>)
        %slice3A_803 = vector.extract_strided_slice %get3A_670 {offsets = [11], sizes = [1], strides = [1]} : vector<16xi32> to vector<1xi32>
        %squeeze3A_804 = vector.extract %slice3A_803[0] : i32 from vector<1xi32>
        %add3A_805 = arith.constant 11 : i32
        %add3A_806 = arith.addi %mul3A_672, %add3A_805 : i32
        %dma_start3A_807 = arith.constant 0 : i32
        %dma_start3A_808 = tpu.memref_slice %arg7[%add3A_806, %dma_start3A_807] : memref<320x64xf32, #tpu.memory_space<vmem>> -> memref<1x64xf32, #tpu.memory_space<vmem>>
        %dma_start3A_809 = arith.constant 0 : i32
        %dma_start3A_810 = tpu.memref_slice %arg2[%squeeze3A_804, %dma_start3A_809] : memref<1000000x64xf32, #tpu.memory_space<hbm>> -> memref<1x64xf32, #tpu.memory_space<hbm>>
        %dma_start3A_811 = arith.constant 0 : i32
        %dma_start3A_812 = tpu.memref_slice %arg7[%add3A_806, %dma_start3A_811] : memref<320x64xf32, #tpu.memory_space<vmem>> -> memref<1x64xf32, #tpu.memory_space<vmem>>
        %dma_start3A_813 = arith.constant 0 : i32
        %dma_start3A_814 = tpu.memref_slice %arg2[%squeeze3A_804, %dma_start3A_813] : memref<1000000x64xf32, #tpu.memory_space<hbm>> -> memref<1x64xf32, #tpu.memory_space<hbm>>
        tpu.enqueue_dma source(%dma_start3A_814 : memref<1x64xf32, #tpu.memory_space<hbm>>) target(%dma_start3A_812 : memref<1x64xf32, #tpu.memory_space<vmem>>) target_semaphore(%arg9 : memref<!tpu.dma_semaphore, #tpu.memory_space<semaphore_mem>>)
        %slice3A_815 = vector.extract_strided_slice %get3A_670 {offsets = [12], sizes = [1], strides = [1]} : vector<16xi32> to vector<1xi32>
        %squeeze3A_816 = vector.extract %slice3A_815[0] : i32 from vector<1xi32>
        %add3A_817 = arith.constant 12 : i32
        %add3A_818 = arith.addi %mul3A_672, %add3A_817 : i32
        %dma_start3A_819 = arith.constant 0 : i32
        %dma_start3A_820 = tpu.memref_slice %arg7[%add3A_818, %dma_start3A_819] : memref<320x64xf32, #tpu.memory_space<vmem>> -> memref<1x64xf32, #tpu.memory_space<vmem>>
        %dma_start3A_821 = arith.constant 0 : i32
        %dma_start3A_822 = tpu.memref_slice %arg2[%squeeze3A_816, %dma_start3A_821] : memref<1000000x64xf32, #tpu.memory_space<hbm>> -> memref<1x64xf32, #tpu.memory_space<hbm>>
        %dma_start3A_823 = arith.constant 0 : i32
        %dma_start3A_824 = tpu.memref_slice %arg7[%add3A_818, %dma_start3A_823] : memref<320x64xf32, #tpu.memory_space<vmem>> -> memref<1x64xf32, #tpu.memory_space<vmem>>
        %dma_start3A_825 = arith.constant 0 : i32
        %dma_start3A_826 = tpu.memref_slice %arg2[%squeeze3A_816, %dma_start3A_825] : memref<1000000x64xf32, #tpu.memory_space<hbm>> -> memref<1x64xf32, #tpu.memory_space<hbm>>
        tpu.enqueue_dma source(%dma_start3A_826 : memref<1x64xf32, #tpu.memory_space<hbm>>) target(%dma_start3A_824 : memref<1x64xf32, #tpu.memory_space<vmem>>) target_semaphore(%arg9 : memref<!tpu.dma_semaphore, #tpu.memory_space<semaphore_mem>>)
        %slice3A_827 = vector.extract_strided_slice %get3A_670 {offsets = [13], sizes = [1], strides = [1]} : vector<16xi32> to vector<1xi32>
        %squeeze3A_828 = vector.extract %slice3A_827[0] : i32 from vector<1xi32>
        %add3A_829 = arith.constant 13 : i32
        %add3A_830 = arith.addi %mul3A_672, %add3A_829 : i32
        %dma_start3A_831 = arith.constant 0 : i32
        %dma_start3A_832 = tpu.memref_slice %arg7[%add3A_830, %dma_start3A_831] : memref<320x64xf32, #tpu.memory_space<vmem>> -> memref<1x64xf32, #tpu.memory_space<vmem>>
        %dma_start3A_833 = arith.constant 0 : i32
        %dma_start3A_834 = tpu.memref_slice %arg2[%squeeze3A_828, %dma_start3A_833] : memref<1000000x64xf32, #tpu.memory_space<hbm>> -> memref<1x64xf32, #tpu.memory_space<hbm>>
        %dma_start3A_835 = arith.constant 0 : i32
        %dma_start3A_836 = tpu.memref_slice %arg7[%add3A_830, %dma_start3A_835] : memref<320x64xf32, #tpu.memory_space<vmem>> -> memref<1x64xf32, #tpu.memory_space<vmem>>
        %dma_start3A_837 = arith.constant 0 : i32
        %dma_start3A_838 = tpu.memref_slice %arg2[%squeeze3A_828, %dma_start3A_837] : memref<1000000x64xf32, #tpu.memory_space<hbm>> -> memref<1x64xf32, #tpu.memory_space<hbm>>
        tpu.enqueue_dma source(%dma_start3A_838 : memref<1x64xf32, #tpu.memory_space<hbm>>) target(%dma_start3A_836 : memref<1x64xf32, #tpu.memory_space<vmem>>) target_semaphore(%arg9 : memref<!tpu.dma_semaphore, #tpu.memory_space<semaphore_mem>>)
        %slice3A_839 = vector.extract_strided_slice %get3A_670 {offsets = [14], sizes = [1], strides = [1]} : vector<16xi32> to vector<1xi32>
        %squeeze3A_840 = vector.extract %slice3A_839[0] : i32 from vector<1xi32>
        %add3A_841 = arith.constant 14 : i32
        %add3A_842 = arith.addi %mul3A_672, %add3A_841 : i32
        %dma_start3A_843 = arith.constant 0 : i32
        %dma_start3A_844 = tpu.memref_slice %arg7[%add3A_842, %dma_start3A_843] : memref<320x64xf32, #tpu.memory_space<vmem>> -> memref<1x64xf32, #tpu.memory_space<vmem>>
        %dma_start3A_845 = arith.constant 0 : i32
        %dma_start3A_846 = tpu.memref_slice %arg2[%squeeze3A_840, %dma_start3A_845] : memref<1000000x64xf32, #tpu.memory_space<hbm>> -> memref<1x64xf32, #tpu.memory_space<hbm>>
        %dma_start3A_847 = arith.constant 0 : i32
        %dma_start3A_848 = tpu.memref_slice %arg7[%add3A_842, %dma_start3A_847] : memref<320x64xf32, #tpu.memory_space<vmem>> -> memref<1x64xf32, #tpu.memory_space<vmem>>
        %dma_start3A_849 = arith.constant 0 : i32
        %dma_start3A_850 = tpu.memref_slice %arg2[%squeeze3A_840, %dma_start3A_849] : memref<1000000x64xf32, #tpu.memory_space<hbm>> -> memref<1x64xf32, #tpu.memory_space<hbm>>
        tpu.enqueue_dma source(%dma_start3A_850 : memref<1x64xf32, #tpu.memory_space<hbm>>) target(%dma_start3A_848 : memref<1x64xf32, #tpu.memory_space<vmem>>) target_semaphore(%arg9 : memref<!tpu.dma_semaphore, #tpu.memory_space<semaphore_mem>>)
        %slice3A_851 = vector.extract_strided_slice %get3A_670 {offsets = [15], sizes = [1], strides = [1]} : vector<16xi32> to vector<1xi32>
        %squeeze3A_852 = vector.extract %slice3A_851[0] : i32 from vector<1xi32>
        %add3A_853 = arith.constant 15 : i32
        %add3A_854 = arith.addi %mul3A_672, %add3A_853 : i32
        %dma_start3A_855 = arith.constant 0 : i32
        %dma_start3A_856 = tpu.memref_slice %arg7[%add3A_854, %dma_start3A_855] : memref<320x64xf32, #tpu.memory_space<vmem>> -> memref<1x64xf32, #tpu.memory_space<vmem>>
        %dma_start3A_857 = arith.constant 0 : i32
        %dma_start3A_858 = tpu.memref_slice %arg2[%squeeze3A_852, %dma_start3A_857] : memref<1000000x64xf32, #tpu.memory_space<hbm>> -> memref<1x64xf32, #tpu.memory_space<hbm>>
        %dma_start3A_859 = arith.constant 0 : i32
        %dma_start3A_860 = tpu.memref_slice %arg7[%add3A_854, %dma_start3A_859] : memref<320x64xf32, #tpu.memory_space<vmem>> -> memref<1x64xf32, #tpu.memory_space<vmem>>
        %dma_start3A_861 = arith.constant 0 : i32
        %dma_start3A_862 = tpu.memref_slice %arg2[%squeeze3A_852, %dma_start3A_861] : memref<1000000x64xf32, #tpu.memory_space<hbm>> -> memref<1x64xf32, #tpu.memory_space<hbm>>
        tpu.enqueue_dma source(%dma_start3A_862 : memref<1x64xf32, #tpu.memory_space<hbm>>) target(%dma_start3A_860 : memref<1x64xf32, #tpu.memory_space<vmem>>) target_semaphore(%arg9 : memref<!tpu.dma_semaphore, #tpu.memory_space<semaphore_mem>>)
      }
      %scan3A_39 = arith.constant 20 : i32
      %dma_wait3A_40 = arith.constant 0 : i32
      %dma_wait3A_41 = arith.constant 0 : i32
      %dma_wait3A_42 = tpu.memref_slice %arg2[%dma_wait3A_40, %dma_wait3A_41] : memref<1000000x64xf32, #tpu.memory_space<hbm>> -> memref<320x64xf32, #tpu.memory_space<hbm>>
      %dma_wait3A_43 = arith.constant 0 : i32
      %dma_wait3A_44 = arith.constant 0 : i32
      %dma_wait3A_45 = tpu.memref_slice %arg2[%dma_wait3A_43, %dma_wait3A_44] : memref<1000000x64xf32, #tpu.memory_space<hbm>> -> memref<320x64xf32, #tpu.memory_space<hbm>>
      tpu.wait_dma2 semaphore(%arg8 : memref<!tpu.dma_semaphore, #tpu.memory_space<semaphore_mem>>) src(%dma_wait3A_45 : memref<320x64xf32, #tpu.memory_space<hbm>>) dst(%arg6 : memref<320x64xf32, #tpu.memory_space<vmem>>)
      %mul3A_46 = arith.constant 16 : i32
      %mul3A_47 = arith.muli %mul3A_29, %mul3A_46 : i32
      %add3A_48 = arith.addi %mul3A_4, %mul3A_47 : i32
      %add3A_49 = arith.constant 0 : i32
      %add3A_50 = arith.addi %add3A_48, %add3A_49 : i32
      %dma_start3A = arith.constant 0 : i32
      %dma_start3A_51 = arith.constant 0 : i32
      %dma_start3A_52 = tpu.memref_slice %arg6[%dma_start3A, %dma_start3A_51] : memref<320x64xf32, #tpu.memory_space<vmem>> -> memref<20x64xf32, #tpu.memory_space<vmem>>
      %dma_start3A_53 = arith.constant 0 : i32
      %dma_start3A_54 = arith.constant 0 : i32
      %dma_start3A_55 = tpu.memref_slice %arg4[%add3A_50, %dma_start3A_53, %dma_start3A_54] : memref<16384x20x64xf32, #tpu.memory_space<hbm>> -> memref<1x20x64xf32, #tpu.memory_space<hbm>>
      %dma_start3A_56 = tpu.memref_squeeze %dma_start3A_55 : memref<1x20x64xf32, #tpu.memory_space<hbm>> -> memref<20x64xf32, #tpu.memory_space<hbm>>
      %dma_start3A_57 = arith.constant 0 : i32
      %dma_start3A_58 = arith.constant 0 : i32
      %dma_start3A_59 = tpu.memref_slice %arg4[%add3A_50, %dma_start3A_57, %dma_start3A_58] : memref<16384x20x64xf32, #tpu.memory_space<hbm>> -> memref<1x20x64xf32, #tpu.memory_space<hbm>>
      %dma_start3A_60 = tpu.memref_squeeze %dma_start3A_59 : memref<1x20x64xf32, #tpu.memory_space<hbm>> -> memref<20x64xf32, #tpu.memory_space<hbm>>
      %dma_start3A_61 = arith.constant 0 : i32
      %dma_start3A_62 = arith.constant 0 : i32
      %dma_start3A_63 = tpu.memref_slice %arg6[%dma_start3A_61, %dma_start3A_62] : memref<320x64xf32, #tpu.memory_space<vmem>> -> memref<20x64xf32, #tpu.memory_space<vmem>>
      tpu.enqueue_dma source(%dma_start3A_63 : memref<20x64xf32, #tpu.memory_space<vmem>>) target(%dma_start3A_60 : memref<20x64xf32, #tpu.memory_space<hbm>>) target_semaphore(%arg10 : memref<!tpu.dma_semaphore, #tpu.memory_space<semaphore_mem>>)
      %mul3A_64 = arith.constant 16 : i32
      %mul3A_65 = arith.muli %mul3A_29, %mul3A_64 : i32
      %add3A_66 = arith.addi %mul3A_4, %mul3A_65 : i32
      %add3A_67 = arith.constant 1 : i32
      %add3A_68 = arith.addi %add3A_66, %add3A_67 : i32
      %dma_start3A_69 = arith.constant 20 : i32
      %dma_start3A_70 = arith.constant 0 : i32
      %dma_start3A_71 = tpu.memref_slice %arg6[%dma_start3A_69, %dma_start3A_70] : memref<320x64xf32, #tpu.memory_space<vmem>> -> memref<20x64xf32, #tpu.memory_space<vmem>>
      %dma_start3A_72 = arith.constant 0 : i32
      %dma_start3A_73 = arith.constant 0 : i32
      %dma_start3A_74 = tpu.memref_slice %arg4[%add3A_68, %dma_start3A_72, %dma_start3A_73] : memref<16384x20x64xf32, #tpu.memory_space<hbm>> -> memref<1x20x64xf32, #tpu.memory_space<hbm>>
      %dma_start3A_75 = tpu.memref_squeeze %dma_start3A_74 : memref<1x20x64xf32, #tpu.memory_space<hbm>> -> memref<20x64xf32, #tpu.memory_space<hbm>>
      %dma_start3A_76 = arith.constant 0 : i32
      %dma_start3A_77 = arith.constant 0 : i32
      %dma_start3A_78 = tpu.memref_slice %arg4[%add3A_68, %dma_start3A_76, %dma_start3A_77] : memref<16384x20x64xf32, #tpu.memory_space<hbm>> -> memref<1x20x64xf32, #tpu.memory_space<hbm>>
      %dma_start3A_79 = tpu.memref_squeeze %dma_start3A_78 : memref<1x20x64xf32, #tpu.memory_space<hbm>> -> memref<20x64xf32, #tpu.memory_space<hbm>>
      %dma_start3A_80 = arith.constant 20 : i32
      %dma_start3A_81 = arith.constant 0 : i32
      %dma_start3A_82 = tpu.memref_slice %arg6[%dma_start3A_80, %dma_start3A_81] : memref<320x64xf32, #tpu.memory_space<vmem>> -> memref<20x64xf32, #tpu.memory_space<vmem>>
      tpu.enqueue_dma source(%dma_start3A_82 : memref<20x64xf32, #tpu.memory_space<vmem>>) target(%dma_start3A_79 : memref<20x64xf32, #tpu.memory_space<hbm>>) target_semaphore(%arg10 : memref<!tpu.dma_semaphore, #tpu.memory_space<semaphore_mem>>)
      %mul3A_83 = arith.constant 16 : i32
      %mul3A_84 = arith.muli %mul3A_29, %mul3A_83 : i32
      %add3A_85 = arith.addi %mul3A_4, %mul3A_84 : i32
      %add3A_86 = arith.constant 2 : i32
      %add3A_87 = arith.addi %add3A_85, %add3A_86 : i32
      %dma_start3A_88 = arith.constant 40 : i32
      %dma_start3A_89 = arith.constant 0 : i32
      %dma_start3A_90 = tpu.memref_slice %arg6[%dma_start3A_88, %dma_start3A_89] : memref<320x64xf32, #tpu.memory_space<vmem>> -> memref<20x64xf32, #tpu.memory_space<vmem>>
      %dma_start3A_91 = arith.constant 0 : i32
      %dma_start3A_92 = arith.constant 0 : i32
      %dma_start3A_93 = tpu.memref_slice %arg4[%add3A_87, %dma_start3A_91, %dma_start3A_92] : memref<16384x20x64xf32, #tpu.memory_space<hbm>> -> memref<1x20x64xf32, #tpu.memory_space<hbm>>
      %dma_start3A_94 = tpu.memref_squeeze %dma_start3A_93 : memref<1x20x64xf32, #tpu.memory_space<hbm>> -> memref<20x64xf32, #tpu.memory_space<hbm>>
      %dma_start3A_95 = arith.constant 0 : i32
      %dma_start3A_96 = arith.constant 0 : i32
      %dma_start3A_97 = tpu.memref_slice %arg4[%add3A_87, %dma_start3A_95, %dma_start3A_96] : memref<16384x20x64xf32, #tpu.memory_space<hbm>> -> memref<1x20x64xf32, #tpu.memory_space<hbm>>
      %dma_start3A_98 = tpu.memref_squeeze %dma_start3A_97 : memref<1x20x64xf32, #tpu.memory_space<hbm>> -> memref<20x64xf32, #tpu.memory_space<hbm>>
      %dma_start3A_99 = arith.constant 40 : i32
      %dma_start3A_100 = arith.constant 0 : i32
      %dma_start3A_101 = tpu.memref_slice %arg6[%dma_start3A_99, %dma_start3A_100] : memref<320x64xf32, #tpu.memory_space<vmem>> -> memref<20x64xf32, #tpu.memory_space<vmem>>
      tpu.enqueue_dma source(%dma_start3A_101 : memref<20x64xf32, #tpu.memory_space<vmem>>) target(%dma_start3A_98 : memref<20x64xf32, #tpu.memory_space<hbm>>) target_semaphore(%arg10 : memref<!tpu.dma_semaphore, #tpu.memory_space<semaphore_mem>>)
      %mul3A_102 = arith.constant 16 : i32
      %mul3A_103 = arith.muli %mul3A_29, %mul3A_102 : i32
      %add3A_104 = arith.addi %mul3A_4, %mul3A_103 : i32
      %add3A_105 = arith.constant 3 : i32
      %add3A_106 = arith.addi %add3A_104, %add3A_105 : i32
      %dma_start3A_107 = arith.constant 60 : i32
      %dma_start3A_108 = arith.constant 0 : i32
      %dma_start3A_109 = tpu.memref_slice %arg6[%dma_start3A_107, %dma_start3A_108] : memref<320x64xf32, #tpu.memory_space<vmem>> -> memref<20x64xf32, #tpu.memory_space<vmem>>
      %dma_start3A_110 = arith.constant 0 : i32
      %dma_start3A_111 = arith.constant 0 : i32
      %dma_start3A_112 = tpu.memref_slice %arg4[%add3A_106, %dma_start3A_110, %dma_start3A_111] : memref<16384x20x64xf32, #tpu.memory_space<hbm>> -> memref<1x20x64xf32, #tpu.memory_space<hbm>>
      %dma_start3A_113 = tpu.memref_squeeze %dma_start3A_112 : memref<1x20x64xf32, #tpu.memory_space<hbm>> -> memref<20x64xf32, #tpu.memory_space<hbm>>
      %dma_start3A_114 = arith.constant 0 : i32
      %dma_start3A_115 = arith.constant 0 : i32
      %dma_start3A_116 = tpu.memref_slice %arg4[%add3A_106, %dma_start3A_114, %dma_start3A_115] : memref<16384x20x64xf32, #tpu.memory_space<hbm>> -> memref<1x20x64xf32, #tpu.memory_space<hbm>>
      %dma_start3A_117 = tpu.memref_squeeze %dma_start3A_116 : memref<1x20x64xf32, #tpu.memory_space<hbm>> -> memref<20x64xf32, #tpu.memory_space<hbm>>
      %dma_start3A_118 = arith.constant 60 : i32
      %dma_start3A_119 = arith.constant 0 : i32
      %dma_start3A_120 = tpu.memref_slice %arg6[%dma_start3A_118, %dma_start3A_119] : memref<320x64xf32, #tpu.memory_space<vmem>> -> memref<20x64xf32, #tpu.memory_space<vmem>>
      tpu.enqueue_dma source(%dma_start3A_120 : memref<20x64xf32, #tpu.memory_space<vmem>>) target(%dma_start3A_117 : memref<20x64xf32, #tpu.memory_space<hbm>>) target_semaphore(%arg10 : memref<!tpu.dma_semaphore, #tpu.memory_space<semaphore_mem>>)
      %mul3A_121 = arith.constant 16 : i32
      %mul3A_122 = arith.muli %mul3A_29, %mul3A_121 : i32
      %add3A_123 = arith.addi %mul3A_4, %mul3A_122 : i32
      %add3A_124 = arith.constant 4 : i32
      %add3A_125 = arith.addi %add3A_123, %add3A_124 : i32
      %dma_start3A_126 = arith.constant 80 : i32
      %dma_start3A_127 = arith.constant 0 : i32
      %dma_start3A_128 = tpu.memref_slice %arg6[%dma_start3A_126, %dma_start3A_127] : memref<320x64xf32, #tpu.memory_space<vmem>> -> memref<20x64xf32, #tpu.memory_space<vmem>>
      %dma_start3A_129 = arith.constant 0 : i32
      %dma_start3A_130 = arith.constant 0 : i32
      %dma_start3A_131 = tpu.memref_slice %arg4[%add3A_125, %dma_start3A_129, %dma_start3A_130] : memref<16384x20x64xf32, #tpu.memory_space<hbm>> -> memref<1x20x64xf32, #tpu.memory_space<hbm>>
      %dma_start3A_132 = tpu.memref_squeeze %dma_start3A_131 : memref<1x20x64xf32, #tpu.memory_space<hbm>> -> memref<20x64xf32, #tpu.memory_space<hbm>>
      %dma_start3A_133 = arith.constant 0 : i32
      %dma_start3A_134 = arith.constant 0 : i32
      %dma_start3A_135 = tpu.memref_slice %arg4[%add3A_125, %dma_start3A_133, %dma_start3A_134] : memref<16384x20x64xf32, #tpu.memory_space<hbm>> -> memref<1x20x64xf32, #tpu.memory_space<hbm>>
      %dma_start3A_136 = tpu.memref_squeeze %dma_start3A_135 : memref<1x20x64xf32, #tpu.memory_space<hbm>> -> memref<20x64xf32, #tpu.memory_space<hbm>>
      %dma_start3A_137 = arith.constant 80 : i32
      %dma_start3A_138 = arith.constant 0 : i32
      %dma_start3A_139 = tpu.memref_slice %arg6[%dma_start3A_137, %dma_start3A_138] : memref<320x64xf32, #tpu.memory_space<vmem>> -> memref<20x64xf32, #tpu.memory_space<vmem>>
      tpu.enqueue_dma source(%dma_start3A_139 : memref<20x64xf32, #tpu.memory_space<vmem>>) target(%dma_start3A_136 : memref<20x64xf32, #tpu.memory_space<hbm>>) target_semaphore(%arg10 : memref<!tpu.dma_semaphore, #tpu.memory_space<semaphore_mem>>)
      %mul3A_140 = arith.constant 16 : i32
      %mul3A_141 = arith.muli %mul3A_29, %mul3A_140 : i32
      %add3A_142 = arith.addi %mul3A_4, %mul3A_141 : i32
      %add3A_143 = arith.constant 5 : i32
      %add3A_144 = arith.addi %add3A_142, %add3A_143 : i32
      %dma_start3A_145 = arith.constant 100 : i32
      %dma_start3A_146 = arith.constant 0 : i32
      %dma_start3A_147 = tpu.memref_slice %arg6[%dma_start3A_145, %dma_start3A_146] : memref<320x64xf32, #tpu.memory_space<vmem>> -> memref<20x64xf32, #tpu.memory_space<vmem>>
      %dma_start3A_148 = arith.constant 0 : i32
      %dma_start3A_149 = arith.constant 0 : i32
      %dma_start3A_150 = tpu.memref_slice %arg4[%add3A_144, %dma_start3A_148, %dma_start3A_149] : memref<16384x20x64xf32, #tpu.memory_space<hbm>> -> memref<1x20x64xf32, #tpu.memory_space<hbm>>
      %dma_start3A_151 = tpu.memref_squeeze %dma_start3A_150 : memref<1x20x64xf32, #tpu.memory_space<hbm>> -> memref<20x64xf32, #tpu.memory_space<hbm>>
      %dma_start3A_152 = arith.constant 0 : i32
      %dma_start3A_153 = arith.constant 0 : i32
      %dma_start3A_154 = tpu.memref_slice %arg4[%add3A_144, %dma_start3A_152, %dma_start3A_153] : memref<16384x20x64xf32, #tpu.memory_space<hbm>> -> memref<1x20x64xf32, #tpu.memory_space<hbm>>
      %dma_start3A_155 = tpu.memref_squeeze %dma_start3A_154 : memref<1x20x64xf32, #tpu.memory_space<hbm>> -> memref<20x64xf32, #tpu.memory_space<hbm>>
      %dma_start3A_156 = arith.constant 100 : i32
      %dma_start3A_157 = arith.constant 0 : i32
      %dma_start3A_158 = tpu.memref_slice %arg6[%dma_start3A_156, %dma_start3A_157] : memref<320x64xf32, #tpu.memory_space<vmem>> -> memref<20x64xf32, #tpu.memory_space<vmem>>
      tpu.enqueue_dma source(%dma_start3A_158 : memref<20x64xf32, #tpu.memory_space<vmem>>) target(%dma_start3A_155 : memref<20x64xf32, #tpu.memory_space<hbm>>) target_semaphore(%arg10 : memref<!tpu.dma_semaphore, #tpu.memory_space<semaphore_mem>>)
      %mul3A_159 = arith.constant 16 : i32
      %mul3A_160 = arith.muli %mul3A_29, %mul3A_159 : i32
      %add3A_161 = arith.addi %mul3A_4, %mul3A_160 : i32
      %add3A_162 = arith.constant 6 : i32
      %add3A_163 = arith.addi %add3A_161, %add3A_162 : i32
      %dma_start3A_164 = arith.constant 120 : i32
      %dma_start3A_165 = arith.constant 0 : i32
      %dma_start3A_166 = tpu.memref_slice %arg6[%dma_start3A_164, %dma_start3A_165] : memref<320x64xf32, #tpu.memory_space<vmem>> -> memref<20x64xf32, #tpu.memory_space<vmem>>
      %dma_start3A_167 = arith.constant 0 : i32
      %dma_start3A_168 = arith.constant 0 : i32
      %dma_start3A_169 = tpu.memref_slice %arg4[%add3A_163, %dma_start3A_167, %dma_start3A_168] : memref<16384x20x64xf32, #tpu.memory_space<hbm>> -> memref<1x20x64xf32, #tpu.memory_space<hbm>>
      %dma_start3A_170 = tpu.memref_squeeze %dma_start3A_169 : memref<1x20x64xf32, #tpu.memory_space<hbm>> -> memref<20x64xf32, #tpu.memory_space<hbm>>
      %dma_start3A_171 = arith.constant 0 : i32
      %dma_start3A_172 = arith.constant 0 : i32
      %dma_start3A_173 = tpu.memref_slice %arg4[%add3A_163, %dma_start3A_171, %dma_start3A_172] : memref<16384x20x64xf32, #tpu.memory_space<hbm>> -> memref<1x20x64xf32, #tpu.memory_space<hbm>>
      %dma_start3A_174 = tpu.memref_squeeze %dma_start3A_173 : memref<1x20x64xf32, #tpu.memory_space<hbm>> -> memref<20x64xf32, #tpu.memory_space<hbm>>
      %dma_start3A_175 = arith.constant 120 : i32
      %dma_start3A_176 = arith.constant 0 : i32
      %dma_start3A_177 = tpu.memref_slice %arg6[%dma_start3A_175, %dma_start3A_176] : memref<320x64xf32, #tpu.memory_space<vmem>> -> memref<20x64xf32, #tpu.memory_space<vmem>>
      tpu.enqueue_dma source(%dma_start3A_177 : memref<20x64xf32, #tpu.memory_space<vmem>>) target(%dma_start3A_174 : memref<20x64xf32, #tpu.memory_space<hbm>>) target_semaphore(%arg10 : memref<!tpu.dma_semaphore, #tpu.memory_space<semaphore_mem>>)
      %mul3A_178 = arith.constant 16 : i32
      %mul3A_179 = arith.muli %mul3A_29, %mul3A_178 : i32
      %add3A_180 = arith.addi %mul3A_4, %mul3A_179 : i32
      %add3A_181 = arith.constant 7 : i32
      %add3A_182 = arith.addi %add3A_180, %add3A_181 : i32
      %dma_start3A_183 = arith.constant 140 : i32
      %dma_start3A_184 = arith.constant 0 : i32
      %dma_start3A_185 = tpu.memref_slice %arg6[%dma_start3A_183, %dma_start3A_184] : memref<320x64xf32, #tpu.memory_space<vmem>> -> memref<20x64xf32, #tpu.memory_space<vmem>>
      %dma_start3A_186 = arith.constant 0 : i32
      %dma_start3A_187 = arith.constant 0 : i32
      %dma_start3A_188 = tpu.memref_slice %arg4[%add3A_182, %dma_start3A_186, %dma_start3A_187] : memref<16384x20x64xf32, #tpu.memory_space<hbm>> -> memref<1x20x64xf32, #tpu.memory_space<hbm>>
      %dma_start3A_189 = tpu.memref_squeeze %dma_start3A_188 : memref<1x20x64xf32, #tpu.memory_space<hbm>> -> memref<20x64xf32, #tpu.memory_space<hbm>>
      %dma_start3A_190 = arith.constant 0 : i32
      %dma_start3A_191 = arith.constant 0 : i32
      %dma_start3A_192 = tpu.memref_slice %arg4[%add3A_182, %dma_start3A_190, %dma_start3A_191] : memref<16384x20x64xf32, #tpu.memory_space<hbm>> -> memref<1x20x64xf32, #tpu.memory_space<hbm>>
      %dma_start3A_193 = tpu.memref_squeeze %dma_start3A_192 : memref<1x20x64xf32, #tpu.memory_space<hbm>> -> memref<20x64xf32, #tpu.memory_space<hbm>>
      %dma_start3A_194 = arith.constant 140 : i32
      %dma_start3A_195 = arith.constant 0 : i32
      %dma_start3A_196 = tpu.memref_slice %arg6[%dma_start3A_194, %dma_start3A_195] : memref<320x64xf32, #tpu.memory_space<vmem>> -> memref<20x64xf32, #tpu.memory_space<vmem>>
      tpu.enqueue_dma source(%dma_start3A_196 : memref<20x64xf32, #tpu.memory_space<vmem>>) target(%dma_start3A_193 : memref<20x64xf32, #tpu.memory_space<hbm>>) target_semaphore(%arg10 : memref<!tpu.dma_semaphore, #tpu.memory_space<semaphore_mem>>)
      %mul3A_197 = arith.constant 16 : i32
      %mul3A_198 = arith.muli %mul3A_29, %mul3A_197 : i32
      %add3A_199 = arith.addi %mul3A_4, %mul3A_198 : i32
      %add3A_200 = arith.constant 8 : i32
      %add3A_201 = arith.addi %add3A_199, %add3A_200 : i32
      %dma_start3A_202 = arith.constant 160 : i32
      %dma_start3A_203 = arith.constant 0 : i32
      %dma_start3A_204 = tpu.memref_slice %arg6[%dma_start3A_202, %dma_start3A_203] : memref<320x64xf32, #tpu.memory_space<vmem>> -> memref<20x64xf32, #tpu.memory_space<vmem>>
      %dma_start3A_205 = arith.constant 0 : i32
      %dma_start3A_206 = arith.constant 0 : i32
      %dma_start3A_207 = tpu.memref_slice %arg4[%add3A_201, %dma_start3A_205, %dma_start3A_206] : memref<16384x20x64xf32, #tpu.memory_space<hbm>> -> memref<1x20x64xf32, #tpu.memory_space<hbm>>
      %dma_start3A_208 = tpu.memref_squeeze %dma_start3A_207 : memref<1x20x64xf32, #tpu.memory_space<hbm>> -> memref<20x64xf32, #tpu.memory_space<hbm>>
      %dma_start3A_209 = arith.constant 0 : i32
      %dma_start3A_210 = arith.constant 0 : i32
      %dma_start3A_211 = tpu.memref_slice %arg4[%add3A_201, %dma_start3A_209, %dma_start3A_210] : memref<16384x20x64xf32, #tpu.memory_space<hbm>> -> memref<1x20x64xf32, #tpu.memory_space<hbm>>
      %dma_start3A_212 = tpu.memref_squeeze %dma_start3A_211 : memref<1x20x64xf32, #tpu.memory_space<hbm>> -> memref<20x64xf32, #tpu.memory_space<hbm>>
      %dma_start3A_213 = arith.constant 160 : i32
      %dma_start3A_214 = arith.constant 0 : i32
      %dma_start3A_215 = tpu.memref_slice %arg6[%dma_start3A_213, %dma_start3A_214] : memref<320x64xf32, #tpu.memory_space<vmem>> -> memref<20x64xf32, #tpu.memory_space<vmem>>
      tpu.enqueue_dma source(%dma_start3A_215 : memref<20x64xf32, #tpu.memory_space<vmem>>) target(%dma_start3A_212 : memref<20x64xf32, #tpu.memory_space<hbm>>) target_semaphore(%arg10 : memref<!tpu.dma_semaphore, #tpu.memory_space<semaphore_mem>>)
      %mul3A_216 = arith.constant 16 : i32
      %mul3A_217 = arith.muli %mul3A_29, %mul3A_216 : i32
      %add3A_218 = arith.addi %mul3A_4, %mul3A_217 : i32
      %add3A_219 = arith.constant 9 : i32
      %add3A_220 = arith.addi %add3A_218, %add3A_219 : i32
      %dma_start3A_221 = arith.constant 180 : i32
      %dma_start3A_222 = arith.constant 0 : i32
      %dma_start3A_223 = tpu.memref_slice %arg6[%dma_start3A_221, %dma_start3A_222] : memref<320x64xf32, #tpu.memory_space<vmem>> -> memref<20x64xf32, #tpu.memory_space<vmem>>
      %dma_start3A_224 = arith.constant 0 : i32
      %dma_start3A_225 = arith.constant 0 : i32
      %dma_start3A_226 = tpu.memref_slice %arg4[%add3A_220, %dma_start3A_224, %dma_start3A_225] : memref<16384x20x64xf32, #tpu.memory_space<hbm>> -> memref<1x20x64xf32, #tpu.memory_space<hbm>>
      %dma_start3A_227 = tpu.memref_squeeze %dma_start3A_226 : memref<1x20x64xf32, #tpu.memory_space<hbm>> -> memref<20x64xf32, #tpu.memory_space<hbm>>
      %dma_start3A_228 = arith.constant 0 : i32
      %dma_start3A_229 = arith.constant 0 : i32
      %dma_start3A_230 = tpu.memref_slice %arg4[%add3A_220, %dma_start3A_228, %dma_start3A_229] : memref<16384x20x64xf32, #tpu.memory_space<hbm>> -> memref<1x20x64xf32, #tpu.memory_space<hbm>>
      %dma_start3A_231 = tpu.memref_squeeze %dma_start3A_230 : memref<1x20x64xf32, #tpu.memory_space<hbm>> -> memref<20x64xf32, #tpu.memory_space<hbm>>
      %dma_start3A_232 = arith.constant 180 : i32
      %dma_start3A_233 = arith.constant 0 : i32
      %dma_start3A_234 = tpu.memref_slice %arg6[%dma_start3A_232, %dma_start3A_233] : memref<320x64xf32, #tpu.memory_space<vmem>> -> memref<20x64xf32, #tpu.memory_space<vmem>>
      tpu.enqueue_dma source(%dma_start3A_234 : memref<20x64xf32, #tpu.memory_space<vmem>>) target(%dma_start3A_231 : memref<20x64xf32, #tpu.memory_space<hbm>>) target_semaphore(%arg10 : memref<!tpu.dma_semaphore, #tpu.memory_space<semaphore_mem>>)
      %mul3A_235 = arith.constant 16 : i32
      %mul3A_236 = arith.muli %mul3A_29, %mul3A_235 : i32
      %add3A_237 = arith.addi %mul3A_4, %mul3A_236 : i32
      %add3A_238 = arith.constant 10 : i32
      %add3A_239 = arith.addi %add3A_237, %add3A_238 : i32
      %dma_start3A_240 = arith.constant 200 : i32
      %dma_start3A_241 = arith.constant 0 : i32
      %dma_start3A_242 = tpu.memref_slice %arg6[%dma_start3A_240, %dma_start3A_241] : memref<320x64xf32, #tpu.memory_space<vmem>> -> memref<20x64xf32, #tpu.memory_space<vmem>>
      %dma_start3A_243 = arith.constant 0 : i32
      %dma_start3A_244 = arith.constant 0 : i32
      %dma_start3A_245 = tpu.memref_slice %arg4[%add3A_239, %dma_start3A_243, %dma_start3A_244] : memref<16384x20x64xf32, #tpu.memory_space<hbm>> -> memref<1x20x64xf32, #tpu.memory_space<hbm>>
      %dma_start3A_246 = tpu.memref_squeeze %dma_start3A_245 : memref<1x20x64xf32, #tpu.memory_space<hbm>> -> memref<20x64xf32, #tpu.memory_space<hbm>>
      %dma_start3A_247 = arith.constant 0 : i32
      %dma_start3A_248 = arith.constant 0 : i32
      %dma_start3A_249 = tpu.memref_slice %arg4[%add3A_239, %dma_start3A_247, %dma_start3A_248] : memref<16384x20x64xf32, #tpu.memory_space<hbm>> -> memref<1x20x64xf32, #tpu.memory_space<hbm>>
      %dma_start3A_250 = tpu.memref_squeeze %dma_start3A_249 : memref<1x20x64xf32, #tpu.memory_space<hbm>> -> memref<20x64xf32, #tpu.memory_space<hbm>>
      %dma_start3A_251 = arith.constant 200 : i32
      %dma_start3A_252 = arith.constant 0 : i32
      %dma_start3A_253 = tpu.memref_slice %arg6[%dma_start3A_251, %dma_start3A_252] : memref<320x64xf32, #tpu.memory_space<vmem>> -> memref<20x64xf32, #tpu.memory_space<vmem>>
      tpu.enqueue_dma source(%dma_start3A_253 : memref<20x64xf32, #tpu.memory_space<vmem>>) target(%dma_start3A_250 : memref<20x64xf32, #tpu.memory_space<hbm>>) target_semaphore(%arg10 : memref<!tpu.dma_semaphore, #tpu.memory_space<semaphore_mem>>)
      %mul3A_254 = arith.constant 16 : i32
      %mul3A_255 = arith.muli %mul3A_29, %mul3A_254 : i32
      %add3A_256 = arith.addi %mul3A_4, %mul3A_255 : i32
      %add3A_257 = arith.constant 11 : i32
      %add3A_258 = arith.addi %add3A_256, %add3A_257 : i32
      %dma_start3A_259 = arith.constant 220 : i32
      %dma_start3A_260 = arith.constant 0 : i32
      %dma_start3A_261 = tpu.memref_slice %arg6[%dma_start3A_259, %dma_start3A_260] : memref<320x64xf32, #tpu.memory_space<vmem>> -> memref<20x64xf32, #tpu.memory_space<vmem>>
      %dma_start3A_262 = arith.constant 0 : i32
      %dma_start3A_263 = arith.constant 0 : i32
      %dma_start3A_264 = tpu.memref_slice %arg4[%add3A_258, %dma_start3A_262, %dma_start3A_263] : memref<16384x20x64xf32, #tpu.memory_space<hbm>> -> memref<1x20x64xf32, #tpu.memory_space<hbm>>
      %dma_start3A_265 = tpu.memref_squeeze %dma_start3A_264 : memref<1x20x64xf32, #tpu.memory_space<hbm>> -> memref<20x64xf32, #tpu.memory_space<hbm>>
      %dma_start3A_266 = arith.constant 0 : i32
      %dma_start3A_267 = arith.constant 0 : i32
      %dma_start3A_268 = tpu.memref_slice %arg4[%add3A_258, %dma_start3A_266, %dma_start3A_267] : memref<16384x20x64xf32, #tpu.memory_space<hbm>> -> memref<1x20x64xf32, #tpu.memory_space<hbm>>
      %dma_start3A_269 = tpu.memref_squeeze %dma_start3A_268 : memref<1x20x64xf32, #tpu.memory_space<hbm>> -> memref<20x64xf32, #tpu.memory_space<hbm>>
      %dma_start3A_270 = arith.constant 220 : i32
      %dma_start3A_271 = arith.constant 0 : i32
      %dma_start3A_272 = tpu.memref_slice %arg6[%dma_start3A_270, %dma_start3A_271] : memref<320x64xf32, #tpu.memory_space<vmem>> -> memref<20x64xf32, #tpu.memory_space<vmem>>
      tpu.enqueue_dma source(%dma_start3A_272 : memref<20x64xf32, #tpu.memory_space<vmem>>) target(%dma_start3A_269 : memref<20x64xf32, #tpu.memory_space<hbm>>) target_semaphore(%arg10 : memref<!tpu.dma_semaphore, #tpu.memory_space<semaphore_mem>>)
      %mul3A_273 = arith.constant 16 : i32
      %mul3A_274 = arith.muli %mul3A_29, %mul3A_273 : i32
      %add3A_275 = arith.addi %mul3A_4, %mul3A_274 : i32
      %add3A_276 = arith.constant 12 : i32
      %add3A_277 = arith.addi %add3A_275, %add3A_276 : i32
      %dma_start3A_278 = arith.constant 240 : i32
      %dma_start3A_279 = arith.constant 0 : i32
      %dma_start3A_280 = tpu.memref_slice %arg6[%dma_start3A_278, %dma_start3A_279] : memref<320x64xf32, #tpu.memory_space<vmem>> -> memref<20x64xf32, #tpu.memory_space<vmem>>
      %dma_start3A_281 = arith.constant 0 : i32
      %dma_start3A_282 = arith.constant 0 : i32
      %dma_start3A_283 = tpu.memref_slice %arg4[%add3A_277, %dma_start3A_281, %dma_start3A_282] : memref<16384x20x64xf32, #tpu.memory_space<hbm>> -> memref<1x20x64xf32, #tpu.memory_space<hbm>>
      %dma_start3A_284 = tpu.memref_squeeze %dma_start3A_283 : memref<1x20x64xf32, #tpu.memory_space<hbm>> -> memref<20x64xf32, #tpu.memory_space<hbm>>
      %dma_start3A_285 = arith.constant 0 : i32
      %dma_start3A_286 = arith.constant 0 : i32
      %dma_start3A_287 = tpu.memref_slice %arg4[%add3A_277, %dma_start3A_285, %dma_start3A_286] : memref<16384x20x64xf32, #tpu.memory_space<hbm>> -> memref<1x20x64xf32, #tpu.memory_space<hbm>>
      %dma_start3A_288 = tpu.memref_squeeze %dma_start3A_287 : memref<1x20x64xf32, #tpu.memory_space<hbm>> -> memref<20x64xf32, #tpu.memory_space<hbm>>
      %dma_start3A_289 = arith.constant 240 : i32
      %dma_start3A_290 = arith.constant 0 : i32
      %dma_start3A_291 = tpu.memref_slice %arg6[%dma_start3A_289, %dma_start3A_290] : memref<320x64xf32, #tpu.memory_space<vmem>> -> memref<20x64xf32, #tpu.memory_space<vmem>>
      tpu.enqueue_dma source(%dma_start3A_291 : memref<20x64xf32, #tpu.memory_space<vmem>>) target(%dma_start3A_288 : memref<20x64xf32, #tpu.memory_space<hbm>>) target_semaphore(%arg10 : memref<!tpu.dma_semaphore, #tpu.memory_space<semaphore_mem>>)
      %mul3A_292 = arith.constant 16 : i32
      %mul3A_293 = arith.muli %mul3A_29, %mul3A_292 : i32
      %add3A_294 = arith.addi %mul3A_4, %mul3A_293 : i32
      %add3A_295 = arith.constant 13 : i32
      %add3A_296 = arith.addi %add3A_294, %add3A_295 : i32
      %dma_start3A_297 = arith.constant 260 : i32
      %dma_start3A_298 = arith.constant 0 : i32
      %dma_start3A_299 = tpu.memref_slice %arg6[%dma_start3A_297, %dma_start3A_298] : memref<320x64xf32, #tpu.memory_space<vmem>> -> memref<20x64xf32, #tpu.memory_space<vmem>>
      %dma_start3A_300 = arith.constant 0 : i32
      %dma_start3A_301 = arith.constant 0 : i32
      %dma_start3A_302 = tpu.memref_slice %arg4[%add3A_296, %dma_start3A_300, %dma_start3A_301] : memref<16384x20x64xf32, #tpu.memory_space<hbm>> -> memref<1x20x64xf32, #tpu.memory_space<hbm>>
      %dma_start3A_303 = tpu.memref_squeeze %dma_start3A_302 : memref<1x20x64xf32, #tpu.memory_space<hbm>> -> memref<20x64xf32, #tpu.memory_space<hbm>>
      %dma_start3A_304 = arith.constant 0 : i32
      %dma_start3A_305 = arith.constant 0 : i32
      %dma_start3A_306 = tpu.memref_slice %arg4[%add3A_296, %dma_start3A_304, %dma_start3A_305] : memref<16384x20x64xf32, #tpu.memory_space<hbm>> -> memref<1x20x64xf32, #tpu.memory_space<hbm>>
      %dma_start3A_307 = tpu.memref_squeeze %dma_start3A_306 : memref<1x20x64xf32, #tpu.memory_space<hbm>> -> memref<20x64xf32, #tpu.memory_space<hbm>>
      %dma_start3A_308 = arith.constant 260 : i32
      %dma_start3A_309 = arith.constant 0 : i32
      %dma_start3A_310 = tpu.memref_slice %arg6[%dma_start3A_308, %dma_start3A_309] : memref<320x64xf32, #tpu.memory_space<vmem>> -> memref<20x64xf32, #tpu.memory_space<vmem>>
      tpu.enqueue_dma source(%dma_start3A_310 : memref<20x64xf32, #tpu.memory_space<vmem>>) target(%dma_start3A_307 : memref<20x64xf32, #tpu.memory_space<hbm>>) target_semaphore(%arg10 : memref<!tpu.dma_semaphore, #tpu.memory_space<semaphore_mem>>)
      %mul3A_311 = arith.constant 16 : i32
      %mul3A_312 = arith.muli %mul3A_29, %mul3A_311 : i32
      %add3A_313 = arith.addi %mul3A_4, %mul3A_312 : i32
      %add3A_314 = arith.constant 14 : i32
      %add3A_315 = arith.addi %add3A_313, %add3A_314 : i32
      %dma_start3A_316 = arith.constant 280 : i32
      %dma_start3A_317 = arith.constant 0 : i32
      %dma_start3A_318 = tpu.memref_slice %arg6[%dma_start3A_316, %dma_start3A_317] : memref<320x64xf32, #tpu.memory_space<vmem>> -> memref<20x64xf32, #tpu.memory_space<vmem>>
      %dma_start3A_319 = arith.constant 0 : i32
      %dma_start3A_320 = arith.constant 0 : i32
      %dma_start3A_321 = tpu.memref_slice %arg4[%add3A_315, %dma_start3A_319, %dma_start3A_320] : memref<16384x20x64xf32, #tpu.memory_space<hbm>> -> memref<1x20x64xf32, #tpu.memory_space<hbm>>
      %dma_start3A_322 = tpu.memref_squeeze %dma_start3A_321 : memref<1x20x64xf32, #tpu.memory_space<hbm>> -> memref<20x64xf32, #tpu.memory_space<hbm>>
      %dma_start3A_323 = arith.constant 0 : i32
      %dma_start3A_324 = arith.constant 0 : i32
      %dma_start3A_325 = tpu.memref_slice %arg4[%add3A_315, %dma_start3A_323, %dma_start3A_324] : memref<16384x20x64xf32, #tpu.memory_space<hbm>> -> memref<1x20x64xf32, #tpu.memory_space<hbm>>
      %dma_start3A_326 = tpu.memref_squeeze %dma_start3A_325 : memref<1x20x64xf32, #tpu.memory_space<hbm>> -> memref<20x64xf32, #tpu.memory_space<hbm>>
      %dma_start3A_327 = arith.constant 280 : i32
      %dma_start3A_328 = arith.constant 0 : i32
      %dma_start3A_329 = tpu.memref_slice %arg6[%dma_start3A_327, %dma_start3A_328] : memref<320x64xf32, #tpu.memory_space<vmem>> -> memref<20x64xf32, #tpu.memory_space<vmem>>
      tpu.enqueue_dma source(%dma_start3A_329 : memref<20x64xf32, #tpu.memory_space<vmem>>) target(%dma_start3A_326 : memref<20x64xf32, #tpu.memory_space<hbm>>) target_semaphore(%arg10 : memref<!tpu.dma_semaphore, #tpu.memory_space<semaphore_mem>>)
      %mul3A_330 = arith.constant 16 : i32
      %mul3A_331 = arith.muli %mul3A_29, %mul3A_330 : i32
      %add3A_332 = arith.addi %mul3A_4, %mul3A_331 : i32
      %add3A_333 = arith.constant 15 : i32
      %add3A_334 = arith.addi %add3A_332, %add3A_333 : i32
      %dma_start3A_335 = arith.constant 300 : i32
      %dma_start3A_336 = arith.constant 0 : i32
      %dma_start3A_337 = tpu.memref_slice %arg6[%dma_start3A_335, %dma_start3A_336] : memref<320x64xf32, #tpu.memory_space<vmem>> -> memref<20x64xf32, #tpu.memory_space<vmem>>
      %dma_start3A_338 = arith.constant 0 : i32
      %dma_start3A_339 = arith.constant 0 : i32
      %dma_start3A_340 = tpu.memref_slice %arg4[%add3A_334, %dma_start3A_338, %dma_start3A_339] : memref<16384x20x64xf32, #tpu.memory_space<hbm>> -> memref<1x20x64xf32, #tpu.memory_space<hbm>>
      %dma_start3A_341 = tpu.memref_squeeze %dma_start3A_340 : memref<1x20x64xf32, #tpu.memory_space<hbm>> -> memref<20x64xf32, #tpu.memory_space<hbm>>
      %dma_start3A_342 = arith.constant 0 : i32
      %dma_start3A_343 = arith.constant 0 : i32
      %dma_start3A_344 = tpu.memref_slice %arg4[%add3A_334, %dma_start3A_342, %dma_start3A_343] : memref<16384x20x64xf32, #tpu.memory_space<hbm>> -> memref<1x20x64xf32, #tpu.memory_space<hbm>>
      %dma_start3A_345 = tpu.memref_squeeze %dma_start3A_344 : memref<1x20x64xf32, #tpu.memory_space<hbm>> -> memref<20x64xf32, #tpu.memory_space<hbm>>
      %dma_start3A_346 = arith.constant 300 : i32
      %dma_start3A_347 = arith.constant 0 : i32
      %dma_start3A_348 = tpu.memref_slice %arg6[%dma_start3A_346, %dma_start3A_347] : memref<320x64xf32, #tpu.memory_space<vmem>> -> memref<20x64xf32, #tpu.memory_space<vmem>>
      tpu.enqueue_dma source(%dma_start3A_348 : memref<20x64xf32, #tpu.memory_space<vmem>>) target(%dma_start3A_345 : memref<20x64xf32, #tpu.memory_space<hbm>>) target_semaphore(%arg10 : memref<!tpu.dma_semaphore, #tpu.memory_space<semaphore_mem>>)
      %lt3A = arith.constant 15 : i32
      %lt3A_349 = arith.cmpi slt, %scan3A_27, %lt3A : i32
      %convert_element_type3A_350 = arith.extui %lt3A_349 : i1 to i32
      %cond3A_351 = arith.constant 0 : i32
      %cond3A_352 = arith.cmpi ne, %convert_element_type3A_350, %cond3A_351 : i32
      scf.if %cond3A_352 {
        %dma_wait3A_663 = arith.constant 0 : i32
        %dma_wait3A_664 = arith.constant 0 : i32
        %dma_wait3A_665 = tpu.memref_slice %arg2[%dma_wait3A_663, %dma_wait3A_664] : memref<1000000x64xf32, #tpu.memory_space<hbm>> -> memref<320x64xf32, #tpu.memory_space<hbm>>
        %dma_wait3A_666 = arith.constant 0 : i32
        %dma_wait3A_667 = arith.constant 0 : i32
        %dma_wait3A_668 = tpu.memref_slice %arg2[%dma_wait3A_666, %dma_wait3A_667] : memref<1000000x64xf32, #tpu.memory_space<hbm>> -> memref<320x64xf32, #tpu.memory_space<hbm>>
        tpu.wait_dma2 semaphore(%arg10 : memref<!tpu.dma_semaphore, #tpu.memory_space<semaphore_mem>>) src(%dma_wait3A_668 : memref<320x64xf32, #tpu.memory_space<hbm>>) dst(%arg6 : memref<320x64xf32, #tpu.memory_space<vmem>>)
        %add3A_669 = arith.constant 2 : i32
        %add3A_670 = arith.addi %mul3A_29, %add3A_669 : i32
        %scan3A_671 = arith.constant 0 : i32
        %scan3A_672 = arith.constant 0 : i32
        %scan3A_673 = arith.constant 20 : i32
        %scan3A_674 = arith.addi %scan3A_672, %scan3A_673 : i32
        %scan3A_675 = arith.constant 1 : i32
        scf.for %scan3A_677 = %scan3A_672 to %scan3A_674 step %scan3A_675  : i32 {
          %mul3A_678 = arith.constant 320 : i32
          %mul3A_679 = arith.muli %add3A_670, %mul3A_678 : i32
          %mul3A_680 = arith.constant 16 : i32
          %mul3A_681 = arith.muli %scan3A_677, %mul3A_680 : i32
          %add3A_682 = arith.addi %mul3A_679, %mul3A_681 : i32
          %get3A = arith.index_cast %add3A_682 : i32 to index
          %get3A_683 = tpu.vector_load %arg5[%get3A] {strides = array<i32>} : memref<10240xi32, #tpu.memory_space<vmem>>, vector<16xi32>,
          %get3A_684 = vector.shape_cast %get3A_683 : vector<16xi32> to vector<16xi32>
          %mul3A_685 = arith.constant 16 : i32
          %mul3A_686 = arith.muli %scan3A_677, %mul3A_685 : i32
          %slice3A = vector.extract_strided_slice %get3A_684 {offsets = [0], sizes = [1], strides = [1]} : vector<16xi32> to vector<1xi32>
          %squeeze3A = vector.extract %slice3A[0] : i32 from vector<1xi32>
          %add3A_687 = arith.constant 0 : i32
          %add3A_688 = arith.addi %mul3A_686, %add3A_687 : i32
          %dma_start3A_689 = arith.constant 0 : i32
          %dma_start3A_690 = tpu.memref_slice %arg6[%add3A_688, %dma_start3A_689] : memref<320x64xf32, #tpu.memory_space<vmem>> -> memref<1x64xf32, #tpu.memory_space<vmem>>
          %dma_start3A_691 = arith.constant 0 : i32
          %dma_start3A_692 = tpu.memref_slice %arg2[%squeeze3A, %dma_start3A_691] : memref<1000000x64xf32, #tpu.memory_space<hbm>> -> memref<1x64xf32, #tpu.memory_space<hbm>>
          %dma_start3A_693 = arith.constant 0 : i32
          %dma_start3A_694 = tpu.memref_slice %arg6[%add3A_688, %dma_start3A_693] : memref<320x64xf32, #tpu.memory_space<vmem>> -> memref<1x64xf32, #tpu.memory_space<vmem>>
          %dma_start3A_695 = arith.constant 0 : i32
          %dma_start3A_696 = tpu.memref_slice %arg2[%squeeze3A, %dma_start3A_695] : memref<1000000x64xf32, #tpu.memory_space<hbm>> -> memref<1x64xf32, #tpu.memory_space<hbm>>
          tpu.enqueue_dma source(%dma_start3A_696 : memref<1x64xf32, #tpu.memory_space<hbm>>) target(%dma_start3A_694 : memref<1x64xf32, #tpu.memory_space<vmem>>) target_semaphore(%arg8 : memref<!tpu.dma_semaphore, #tpu.memory_space<semaphore_mem>>)
          %slice3A_697 = vector.extract_strided_slice %get3A_684 {offsets = [1], sizes = [1], strides = [1]} : vector<16xi32> to vector<1xi32>
          %squeeze3A_698 = vector.extract %slice3A_697[0] : i32 from vector<1xi32>
          %add3A_699 = arith.constant 1 : i32
          %add3A_700 = arith.addi %mul3A_686, %add3A_699 : i32
          %dma_start3A_701 = arith.constant 0 : i32
          %dma_start3A_702 = tpu.memref_slice %arg6[%add3A_700, %dma_start3A_701] : memref<320x64xf32, #tpu.memory_space<vmem>> -> memref<1x64xf32, #tpu.memory_space<vmem>>
          %dma_start3A_703 = arith.constant 0 : i32
          %dma_start3A_704 = tpu.memref_slice %arg2[%squeeze3A_698, %dma_start3A_703] : memref<1000000x64xf32, #tpu.memory_space<hbm>> -> memref<1x64xf32, #tpu.memory_space<hbm>>
          %dma_start3A_705 = arith.constant 0 : i32
          %dma_start3A_706 = tpu.memref_slice %arg6[%add3A_700, %dma_start3A_705] : memref<320x64xf32, #tpu.memory_space<vmem>> -> memref<1x64xf32, #tpu.memory_space<vmem>>
          %dma_start3A_707 = arith.constant 0 : i32
          %dma_start3A_708 = tpu.memref_slice %arg2[%squeeze3A_698, %dma_start3A_707] : memref<1000000x64xf32, #tpu.memory_space<hbm>> -> memref<1x64xf32, #tpu.memory_space<hbm>>
          tpu.enqueue_dma source(%dma_start3A_708 : memref<1x64xf32, #tpu.memory_space<hbm>>) target(%dma_start3A_706 : memref<1x64xf32, #tpu.memory_space<vmem>>) target_semaphore(%arg8 : memref<!tpu.dma_semaphore, #tpu.memory_space<semaphore_mem>>)
          %slice3A_709 = vector.extract_strided_slice %get3A_684 {offsets = [2], sizes = [1], strides = [1]} : vector<16xi32> to vector<1xi32>
          %squeeze3A_710 = vector.extract %slice3A_709[0] : i32 from vector<1xi32>
          %add3A_711 = arith.constant 2 : i32
          %add3A_712 = arith.addi %mul3A_686, %add3A_711 : i32
          %dma_start3A_713 = arith.constant 0 : i32
          %dma_start3A_714 = tpu.memref_slice %arg6[%add3A_712, %dma_start3A_713] : memref<320x64xf32, #tpu.memory_space<vmem>> -> memref<1x64xf32, #tpu.memory_space<vmem>>
          %dma_start3A_715 = arith.constant 0 : i32
          %dma_start3A_716 = tpu.memref_slice %arg2[%squeeze3A_710, %dma_start3A_715] : memref<1000000x64xf32, #tpu.memory_space<hbm>> -> memref<1x64xf32, #tpu.memory_space<hbm>>
          %dma_start3A_717 = arith.constant 0 : i32
          %dma_start3A_718 = tpu.memref_slice %arg6[%add3A_712, %dma_start3A_717] : memref<320x64xf32, #tpu.memory_space<vmem>> -> memref<1x64xf32, #tpu.memory_space<vmem>>
          %dma_start3A_719 = arith.constant 0 : i32
          %dma_start3A_720 = tpu.memref_slice %arg2[%squeeze3A_710, %dma_start3A_719] : memref<1000000x64xf32, #tpu.memory_space<hbm>> -> memref<1x64xf32, #tpu.memory_space<hbm>>
          tpu.enqueue_dma source(%dma_start3A_720 : memref<1x64xf32, #tpu.memory_space<hbm>>) target(%dma_start3A_718 : memref<1x64xf32, #tpu.memory_space<vmem>>) target_semaphore(%arg8 : memref<!tpu.dma_semaphore, #tpu.memory_space<semaphore_mem>>)
          %slice3A_721 = vector.extract_strided_slice %get3A_684 {offsets = [3], sizes = [1], strides = [1]} : vector<16xi32> to vector<1xi32>
          %squeeze3A_722 = vector.extract %slice3A_721[0] : i32 from vector<1xi32>
          %add3A_723 = arith.constant 3 : i32
          %add3A_724 = arith.addi %mul3A_686, %add3A_723 : i32
          %dma_start3A_725 = arith.constant 0 : i32
          %dma_start3A_726 = tpu.memref_slice %arg6[%add3A_724, %dma_start3A_725] : memref<320x64xf32, #tpu.memory_space<vmem>> -> memref<1x64xf32, #tpu.memory_space<vmem>>
          %dma_start3A_727 = arith.constant 0 : i32
          %dma_start3A_728 = tpu.memref_slice %arg2[%squeeze3A_722, %dma_start3A_727] : memref<1000000x64xf32, #tpu.memory_space<hbm>> -> memref<1x64xf32, #tpu.memory_space<hbm>>
          %dma_start3A_729 = arith.constant 0 : i32
          %dma_start3A_730 = tpu.memref_slice %arg6[%add3A_724, %dma_start3A_729] : memref<320x64xf32, #tpu.memory_space<vmem>> -> memref<1x64xf32, #tpu.memory_space<vmem>>
          %dma_start3A_731 = arith.constant 0 : i32
          %dma_start3A_732 = tpu.memref_slice %arg2[%squeeze3A_722, %dma_start3A_731] : memref<1000000x64xf32, #tpu.memory_space<hbm>> -> memref<1x64xf32, #tpu.memory_space<hbm>>
          tpu.enqueue_dma source(%dma_start3A_732 : memref<1x64xf32, #tpu.memory_space<hbm>>) target(%dma_start3A_730 : memref<1x64xf32, #tpu.memory_space<vmem>>) target_semaphore(%arg8 : memref<!tpu.dma_semaphore, #tpu.memory_space<semaphore_mem>>)
          %slice3A_733 = vector.extract_strided_slice %get3A_684 {offsets = [4], sizes = [1], strides = [1]} : vector<16xi32> to vector<1xi32>
          %squeeze3A_734 = vector.extract %slice3A_733[0] : i32 from vector<1xi32>
          %add3A_735 = arith.constant 4 : i32
          %add3A_736 = arith.addi %mul3A_686, %add3A_735 : i32
          %dma_start3A_737 = arith.constant 0 : i32
          %dma_start3A_738 = tpu.memref_slice %arg6[%add3A_736, %dma_start3A_737] : memref<320x64xf32, #tpu.memory_space<vmem>> -> memref<1x64xf32, #tpu.memory_space<vmem>>
          %dma_start3A_739 = arith.constant 0 : i32
          %dma_start3A_740 = tpu.memref_slice %arg2[%squeeze3A_734, %dma_start3A_739] : memref<1000000x64xf32, #tpu.memory_space<hbm>> -> memref<1x64xf32, #tpu.memory_space<hbm>>
          %dma_start3A_741 = arith.constant 0 : i32
          %dma_start3A_742 = tpu.memref_slice %arg6[%add3A_736, %dma_start3A_741] : memref<320x64xf32, #tpu.memory_space<vmem>> -> memref<1x64xf32, #tpu.memory_space<vmem>>
          %dma_start3A_743 = arith.constant 0 : i32
          %dma_start3A_744 = tpu.memref_slice %arg2[%squeeze3A_734, %dma_start3A_743] : memref<1000000x64xf32, #tpu.memory_space<hbm>> -> memref<1x64xf32, #tpu.memory_space<hbm>>
          tpu.enqueue_dma source(%dma_start3A_744 : memref<1x64xf32, #tpu.memory_space<hbm>>) target(%dma_start3A_742 : memref<1x64xf32, #tpu.memory_space<vmem>>) target_semaphore(%arg8 : memref<!tpu.dma_semaphore, #tpu.memory_space<semaphore_mem>>)
          %slice3A_745 = vector.extract_strided_slice %get3A_684 {offsets = [5], sizes = [1], strides = [1]} : vector<16xi32> to vector<1xi32>
          %squeeze3A_746 = vector.extract %slice3A_745[0] : i32 from vector<1xi32>
          %add3A_747 = arith.constant 5 : i32
          %add3A_748 = arith.addi %mul3A_686, %add3A_747 : i32
          %dma_start3A_749 = arith.constant 0 : i32
          %dma_start3A_750 = tpu.memref_slice %arg6[%add3A_748, %dma_start3A_749] : memref<320x64xf32, #tpu.memory_space<vmem>> -> memref<1x64xf32, #tpu.memory_space<vmem>>
          %dma_start3A_751 = arith.constant 0 : i32
          %dma_start3A_752 = tpu.memref_slice %arg2[%squeeze3A_746, %dma_start3A_751] : memref<1000000x64xf32, #tpu.memory_space<hbm>> -> memref<1x64xf32, #tpu.memory_space<hbm>>
          %dma_start3A_753 = arith.constant 0 : i32
          %dma_start3A_754 = tpu.memref_slice %arg6[%add3A_748, %dma_start3A_753] : memref<320x64xf32, #tpu.memory_space<vmem>> -> memref<1x64xf32, #tpu.memory_space<vmem>>
          %dma_start3A_755 = arith.constant 0 : i32
          %dma_start3A_756 = tpu.memref_slice %arg2[%squeeze3A_746, %dma_start3A_755] : memref<1000000x64xf32, #tpu.memory_space<hbm>> -> memref<1x64xf32, #tpu.memory_space<hbm>>
          tpu.enqueue_dma source(%dma_start3A_756 : memref<1x64xf32, #tpu.memory_space<hbm>>) target(%dma_start3A_754 : memref<1x64xf32, #tpu.memory_space<vmem>>) target_semaphore(%arg8 : memref<!tpu.dma_semaphore, #tpu.memory_space<semaphore_mem>>)
          %slice3A_757 = vector.extract_strided_slice %get3A_684 {offsets = [6], sizes = [1], strides = [1]} : vector<16xi32> to vector<1xi32>
          %squeeze3A_758 = vector.extract %slice3A_757[0] : i32 from vector<1xi32>
          %add3A_759 = arith.constant 6 : i32
          %add3A_760 = arith.addi %mul3A_686, %add3A_759 : i32
          %dma_start3A_761 = arith.constant 0 : i32
          %dma_start3A_762 = tpu.memref_slice %arg6[%add3A_760, %dma_start3A_761] : memref<320x64xf32, #tpu.memory_space<vmem>> -> memref<1x64xf32, #tpu.memory_space<vmem>>
          %dma_start3A_763 = arith.constant 0 : i32
          %dma_start3A_764 = tpu.memref_slice %arg2[%squeeze3A_758, %dma_start3A_763] : memref<1000000x64xf32, #tpu.memory_space<hbm>> -> memref<1x64xf32, #tpu.memory_space<hbm>>
          %dma_start3A_765 = arith.constant 0 : i32
          %dma_start3A_766 = tpu.memref_slice %arg6[%add3A_760, %dma_start3A_765] : memref<320x64xf32, #tpu.memory_space<vmem>> -> memref<1x64xf32, #tpu.memory_space<vmem>>
          %dma_start3A_767 = arith.constant 0 : i32
          %dma_start3A_768 = tpu.memref_slice %arg2[%squeeze3A_758, %dma_start3A_767] : memref<1000000x64xf32, #tpu.memory_space<hbm>> -> memref<1x64xf32, #tpu.memory_space<hbm>>
          tpu.enqueue_dma source(%dma_start3A_768 : memref<1x64xf32, #tpu.memory_space<hbm>>) target(%dma_start3A_766 : memref<1x64xf32, #tpu.memory_space<vmem>>) target_semaphore(%arg8 : memref<!tpu.dma_semaphore, #tpu.memory_space<semaphore_mem>>)
          %slice3A_769 = vector.extract_strided_slice %get3A_684 {offsets = [7], sizes = [1], strides = [1]} : vector<16xi32> to vector<1xi32>
          %squeeze3A_770 = vector.extract %slice3A_769[0] : i32 from vector<1xi32>
          %add3A_771 = arith.constant 7 : i32
          %add3A_772 = arith.addi %mul3A_686, %add3A_771 : i32
          %dma_start3A_773 = arith.constant 0 : i32
          %dma_start3A_774 = tpu.memref_slice %arg6[%add3A_772, %dma_start3A_773] : memref<320x64xf32, #tpu.memory_space<vmem>> -> memref<1x64xf32, #tpu.memory_space<vmem>>
          %dma_start3A_775 = arith.constant 0 : i32
          %dma_start3A_776 = tpu.memref_slice %arg2[%squeeze3A_770, %dma_start3A_775] : memref<1000000x64xf32, #tpu.memory_space<hbm>> -> memref<1x64xf32, #tpu.memory_space<hbm>>
          %dma_start3A_777 = arith.constant 0 : i32
          %dma_start3A_778 = tpu.memref_slice %arg6[%add3A_772, %dma_start3A_777] : memref<320x64xf32, #tpu.memory_space<vmem>> -> memref<1x64xf32, #tpu.memory_space<vmem>>
          %dma_start3A_779 = arith.constant 0 : i32
          %dma_start3A_780 = tpu.memref_slice %arg2[%squeeze3A_770, %dma_start3A_779] : memref<1000000x64xf32, #tpu.memory_space<hbm>> -> memref<1x64xf32, #tpu.memory_space<hbm>>
          tpu.enqueue_dma source(%dma_start3A_780 : memref<1x64xf32, #tpu.memory_space<hbm>>) target(%dma_start3A_778 : memref<1x64xf32, #tpu.memory_space<vmem>>) target_semaphore(%arg8 : memref<!tpu.dma_semaphore, #tpu.memory_space<semaphore_mem>>)
          %slice3A_781 = vector.extract_strided_slice %get3A_684 {offsets = [8], sizes = [1], strides = [1]} : vector<16xi32> to vector<1xi32>
          %squeeze3A_782 = vector.extract %slice3A_781[0] : i32 from vector<1xi32>
          %add3A_783 = arith.constant 8 : i32
          %add3A_784 = arith.addi %mul3A_686, %add3A_783 : i32
          %dma_start3A_785 = arith.constant 0 : i32
          %dma_start3A_786 = tpu.memref_slice %arg6[%add3A_784, %dma_start3A_785] : memref<320x64xf32, #tpu.memory_space<vmem>> -> memref<1x64xf32, #tpu.memory_space<vmem>>
          %dma_start3A_787 = arith.constant 0 : i32
          %dma_start3A_788 = tpu.memref_slice %arg2[%squeeze3A_782, %dma_start3A_787] : memref<1000000x64xf32, #tpu.memory_space<hbm>> -> memref<1x64xf32, #tpu.memory_space<hbm>>
          %dma_start3A_789 = arith.constant 0 : i32
          %dma_start3A_790 = tpu.memref_slice %arg6[%add3A_784, %dma_start3A_789] : memref<320x64xf32, #tpu.memory_space<vmem>> -> memref<1x64xf32, #tpu.memory_space<vmem>>
          %dma_start3A_791 = arith.constant 0 : i32
          %dma_start3A_792 = tpu.memref_slice %arg2[%squeeze3A_782, %dma_start3A_791] : memref<1000000x64xf32, #tpu.memory_space<hbm>> -> memref<1x64xf32, #tpu.memory_space<hbm>>
          tpu.enqueue_dma source(%dma_start3A_792 : memref<1x64xf32, #tpu.memory_space<hbm>>) target(%dma_start3A_790 : memref<1x64xf32, #tpu.memory_space<vmem>>) target_semaphore(%arg8 : memref<!tpu.dma_semaphore, #tpu.memory_space<semaphore_mem>>)
          %slice3A_793 = vector.extract_strided_slice %get3A_684 {offsets = [9], sizes = [1], strides = [1]} : vector<16xi32> to vector<1xi32>
          %squeeze3A_794 = vector.extract %slice3A_793[0] : i32 from vector<1xi32>
          %add3A_795 = arith.constant 9 : i32
          %add3A_796 = arith.addi %mul3A_686, %add3A_795 : i32
          %dma_start3A_797 = arith.constant 0 : i32
          %dma_start3A_798 = tpu.memref_slice %arg6[%add3A_796, %dma_start3A_797] : memref<320x64xf32, #tpu.memory_space<vmem>> -> memref<1x64xf32, #tpu.memory_space<vmem>>
          %dma_start3A_799 = arith.constant 0 : i32
          %dma_start3A_800 = tpu.memref_slice %arg2[%squeeze3A_794, %dma_start3A_799] : memref<1000000x64xf32, #tpu.memory_space<hbm>> -> memref<1x64xf32, #tpu.memory_space<hbm>>
          %dma_start3A_801 = arith.constant 0 : i32
          %dma_start3A_802 = tpu.memref_slice %arg6[%add3A_796, %dma_start3A_801] : memref<320x64xf32, #tpu.memory_space<vmem>> -> memref<1x64xf32, #tpu.memory_space<vmem>>
          %dma_start3A_803 = arith.constant 0 : i32
          %dma_start3A_804 = tpu.memref_slice %arg2[%squeeze3A_794, %dma_start3A_803] : memref<1000000x64xf32, #tpu.memory_space<hbm>> -> memref<1x64xf32, #tpu.memory_space<hbm>>
          tpu.enqueue_dma source(%dma_start3A_804 : memref<1x64xf32, #tpu.memory_space<hbm>>) target(%dma_start3A_802 : memref<1x64xf32, #tpu.memory_space<vmem>>) target_semaphore(%arg8 : memref<!tpu.dma_semaphore, #tpu.memory_space<semaphore_mem>>)
          %slice3A_805 = vector.extract_strided_slice %get3A_684 {offsets = [10], sizes = [1], strides = [1]} : vector<16xi32> to vector<1xi32>
          %squeeze3A_806 = vector.extract %slice3A_805[0] : i32 from vector<1xi32>
          %add3A_807 = arith.constant 10 : i32
          %add3A_808 = arith.addi %mul3A_686, %add3A_807 : i32
          %dma_start3A_809 = arith.constant 0 : i32
          %dma_start3A_810 = tpu.memref_slice %arg6[%add3A_808, %dma_start3A_809] : memref<320x64xf32, #tpu.memory_space<vmem>> -> memref<1x64xf32, #tpu.memory_space<vmem>>
          %dma_start3A_811 = arith.constant 0 : i32
          %dma_start3A_812 = tpu.memref_slice %arg2[%squeeze3A_806, %dma_start3A_811] : memref<1000000x64xf32, #tpu.memory_space<hbm>> -> memref<1x64xf32, #tpu.memory_space<hbm>>
          %dma_start3A_813 = arith.constant 0 : i32
          %dma_start3A_814 = tpu.memref_slice %arg6[%add3A_808, %dma_start3A_813] : memref<320x64xf32, #tpu.memory_space<vmem>> -> memref<1x64xf32, #tpu.memory_space<vmem>>
          %dma_start3A_815 = arith.constant 0 : i32
          %dma_start3A_816 = tpu.memref_slice %arg2[%squeeze3A_806, %dma_start3A_815] : memref<1000000x64xf32, #tpu.memory_space<hbm>> -> memref<1x64xf32, #tpu.memory_space<hbm>>
          tpu.enqueue_dma source(%dma_start3A_816 : memref<1x64xf32, #tpu.memory_space<hbm>>) target(%dma_start3A_814 : memref<1x64xf32, #tpu.memory_space<vmem>>) target_semaphore(%arg8 : memref<!tpu.dma_semaphore, #tpu.memory_space<semaphore_mem>>)
          %slice3A_817 = vector.extract_strided_slice %get3A_684 {offsets = [11], sizes = [1], strides = [1]} : vector<16xi32> to vector<1xi32>
          %squeeze3A_818 = vector.extract %slice3A_817[0] : i32 from vector<1xi32>
          %add3A_819 = arith.constant 11 : i32
          %add3A_820 = arith.addi %mul3A_686, %add3A_819 : i32
          %dma_start3A_821 = arith.constant 0 : i32
          %dma_start3A_822 = tpu.memref_slice %arg6[%add3A_820, %dma_start3A_821] : memref<320x64xf32, #tpu.memory_space<vmem>> -> memref<1x64xf32, #tpu.memory_space<vmem>>
          %dma_start3A_823 = arith.constant 0 : i32
          %dma_start3A_824 = tpu.memref_slice %arg2[%squeeze3A_818, %dma_start3A_823] : memref<1000000x64xf32, #tpu.memory_space<hbm>> -> memref<1x64xf32, #tpu.memory_space<hbm>>
          %dma_start3A_825 = arith.constant 0 : i32
          %dma_start3A_826 = tpu.memref_slice %arg6[%add3A_820, %dma_start3A_825] : memref<320x64xf32, #tpu.memory_space<vmem>> -> memref<1x64xf32, #tpu.memory_space<vmem>>
          %dma_start3A_827 = arith.constant 0 : i32
          %dma_start3A_828 = tpu.memref_slice %arg2[%squeeze3A_818, %dma_start3A_827] : memref<1000000x64xf32, #tpu.memory_space<hbm>> -> memref<1x64xf32, #tpu.memory_space<hbm>>
          tpu.enqueue_dma source(%dma_start3A_828 : memref<1x64xf32, #tpu.memory_space<hbm>>) target(%dma_start3A_826 : memref<1x64xf32, #tpu.memory_space<vmem>>) target_semaphore(%arg8 : memref<!tpu.dma_semaphore, #tpu.memory_space<semaphore_mem>>)
          %slice3A_829 = vector.extract_strided_slice %get3A_684 {offsets = [12], sizes = [1], strides = [1]} : vector<16xi32> to vector<1xi32>
          %squeeze3A_830 = vector.extract %slice3A_829[0] : i32 from vector<1xi32>
          %add3A_831 = arith.constant 12 : i32
          %add3A_832 = arith.addi %mul3A_686, %add3A_831 : i32
          %dma_start3A_833 = arith.constant 0 : i32
          %dma_start3A_834 = tpu.memref_slice %arg6[%add3A_832, %dma_start3A_833] : memref<320x64xf32, #tpu.memory_space<vmem>> -> memref<1x64xf32, #tpu.memory_space<vmem>>
          %dma_start3A_835 = arith.constant 0 : i32
          %dma_start3A_836 = tpu.memref_slice %arg2[%squeeze3A_830, %dma_start3A_835] : memref<1000000x64xf32, #tpu.memory_space<hbm>> -> memref<1x64xf32, #tpu.memory_space<hbm>>
          %dma_start3A_837 = arith.constant 0 : i32
          %dma_start3A_838 = tpu.memref_slice %arg6[%add3A_832, %dma_start3A_837] : memref<320x64xf32, #tpu.memory_space<vmem>> -> memref<1x64xf32, #tpu.memory_space<vmem>>
          %dma_start3A_839 = arith.constant 0 : i32
          %dma_start3A_840 = tpu.memref_slice %arg2[%squeeze3A_830, %dma_start3A_839] : memref<1000000x64xf32, #tpu.memory_space<hbm>> -> memref<1x64xf32, #tpu.memory_space<hbm>>
          tpu.enqueue_dma source(%dma_start3A_840 : memref<1x64xf32, #tpu.memory_space<hbm>>) target(%dma_start3A_838 : memref<1x64xf32, #tpu.memory_space<vmem>>) target_semaphore(%arg8 : memref<!tpu.dma_semaphore, #tpu.memory_space<semaphore_mem>>)
          %slice3A_841 = vector.extract_strided_slice %get3A_684 {offsets = [13], sizes = [1], strides = [1]} : vector<16xi32> to vector<1xi32>
          %squeeze3A_842 = vector.extract %slice3A_841[0] : i32 from vector<1xi32>
          %add3A_843 = arith.constant 13 : i32
          %add3A_844 = arith.addi %mul3A_686, %add3A_843 : i32
          %dma_start3A_845 = arith.constant 0 : i32
          %dma_start3A_846 = tpu.memref_slice %arg6[%add3A_844, %dma_start3A_845] : memref<320x64xf32, #tpu.memory_space<vmem>> -> memref<1x64xf32, #tpu.memory_space<vmem>>
          %dma_start3A_847 = arith.constant 0 : i32
          %dma_start3A_848 = tpu.memref_slice %arg2[%squeeze3A_842, %dma_start3A_847] : memref<1000000x64xf32, #tpu.memory_space<hbm>> -> memref<1x64xf32, #tpu.memory_space<hbm>>
          %dma_start3A_849 = arith.constant 0 : i32
          %dma_start3A_850 = tpu.memref_slice %arg6[%add3A_844, %dma_start3A_849] : memref<320x64xf32, #tpu.memory_space<vmem>> -> memref<1x64xf32, #tpu.memory_space<vmem>>
          %dma_start3A_851 = arith.constant 0 : i32
          %dma_start3A_852 = tpu.memref_slice %arg2[%squeeze3A_842, %dma_start3A_851] : memref<1000000x64xf32, #tpu.memory_space<hbm>> -> memref<1x64xf32, #tpu.memory_space<hbm>>
          tpu.enqueue_dma source(%dma_start3A_852 : memref<1x64xf32, #tpu.memory_space<hbm>>) target(%dma_start3A_850 : memref<1x64xf32, #tpu.memory_space<vmem>>) target_semaphore(%arg8 : memref<!tpu.dma_semaphore, #tpu.memory_space<semaphore_mem>>)
          %slice3A_853 = vector.extract_strided_slice %get3A_684 {offsets = [14], sizes = [1], strides = [1]} : vector<16xi32> to vector<1xi32>
          %squeeze3A_854 = vector.extract %slice3A_853[0] : i32 from vector<1xi32>
          %add3A_855 = arith.constant 14 : i32
          %add3A_856 = arith.addi %mul3A_686, %add3A_855 : i32
          %dma_start3A_857 = arith.constant 0 : i32
          %dma_start3A_858 = tpu.memref_slice %arg6[%add3A_856, %dma_start3A_857] : memref<320x64xf32, #tpu.memory_space<vmem>> -> memref<1x64xf32, #tpu.memory_space<vmem>>
          %dma_start3A_859 = arith.constant 0 : i32
          %dma_start3A_860 = tpu.memref_slice %arg2[%squeeze3A_854, %dma_start3A_859] : memref<1000000x64xf32, #tpu.memory_space<hbm>> -> memref<1x64xf32, #tpu.memory_space<hbm>>
          %dma_start3A_861 = arith.constant 0 : i32
          %dma_start3A_862 = tpu.memref_slice %arg6[%add3A_856, %dma_start3A_861] : memref<320x64xf32, #tpu.memory_space<vmem>> -> memref<1x64xf32, #tpu.memory_space<vmem>>
          %dma_start3A_863 = arith.constant 0 : i32
          %dma_start3A_864 = tpu.memref_slice %arg2[%squeeze3A_854, %dma_start3A_863] : memref<1000000x64xf32, #tpu.memory_space<hbm>> -> memref<1x64xf32, #tpu.memory_space<hbm>>
          tpu.enqueue_dma source(%dma_start3A_864 : memref<1x64xf32, #tpu.memory_space<hbm>>) target(%dma_start3A_862 : memref<1x64xf32, #tpu.memory_space<vmem>>) target_semaphore(%arg8 : memref<!tpu.dma_semaphore, #tpu.memory_space<semaphore_mem>>)
          %slice3A_865 = vector.extract_strided_slice %get3A_684 {offsets = [15], sizes = [1], strides = [1]} : vector<16xi32> to vector<1xi32>
          %squeeze3A_866 = vector.extract %slice3A_865[0] : i32 from vector<1xi32>
          %add3A_867 = arith.constant 15 : i32
          %add3A_868 = arith.addi %mul3A_686, %add3A_867 : i32
          %dma_start3A_869 = arith.constant 0 : i32
          %dma_start3A_870 = tpu.memref_slice %arg6[%add3A_868, %dma_start3A_869] : memref<320x64xf32, #tpu.memory_space<vmem>> -> memref<1x64xf32, #tpu.memory_space<vmem>>
          %dma_start3A_871 = arith.constant 0 : i32
          %dma_start3A_872 = tpu.memref_slice %arg2[%squeeze3A_866, %dma_start3A_871] : memref<1000000x64xf32, #tpu.memory_space<hbm>> -> memref<1x64xf32, #tpu.memory_space<hbm>>
          %dma_start3A_873 = arith.constant 0 : i32
          %dma_start3A_874 = tpu.memref_slice %arg6[%add3A_868, %dma_start3A_873] : memref<320x64xf32, #tpu.memory_space<vmem>> -> memref<1x64xf32, #tpu.memory_space<vmem>>
          %dma_start3A_875 = arith.constant 0 : i32
          %dma_start3A_876 = tpu.memref_slice %arg2[%squeeze3A_866, %dma_start3A_875] : memref<1000000x64xf32, #tpu.memory_space<hbm>> -> memref<1x64xf32, #tpu.memory_space<hbm>>
          tpu.enqueue_dma source(%dma_start3A_876 : memref<1x64xf32, #tpu.memory_space<hbm>>) target(%dma_start3A_874 : memref<1x64xf32, #tpu.memory_space<vmem>>) target_semaphore(%arg8 : memref<!tpu.dma_semaphore, #tpu.memory_space<semaphore_mem>>)
        }
        %scan3A_676 = arith.constant 20 : i32
      } else {
      }
      %dma_wait3A_353 = arith.constant 0 : i32
      %dma_wait3A_354 = arith.constant 0 : i32
      %dma_wait3A_355 = tpu.memref_slice %arg2[%dma_wait3A_353, %dma_wait3A_354] : memref<1000000x64xf32, #tpu.memory_space<hbm>> -> memref<320x64xf32, #tpu.memory_space<hbm>>
      %dma_wait3A_356 = arith.constant 0 : i32
      %dma_wait3A_357 = arith.constant 0 : i32
      %dma_wait3A_358 = tpu.memref_slice %arg2[%dma_wait3A_356, %dma_wait3A_357] : memref<1000000x64xf32, #tpu.memory_space<hbm>> -> memref<320x64xf32, #tpu.memory_space<hbm>>
      tpu.wait_dma2 semaphore(%arg9 : memref<!tpu.dma_semaphore, #tpu.memory_space<semaphore_mem>>) src(%dma_wait3A_358 : memref<320x64xf32, #tpu.memory_space<hbm>>) dst(%arg7 : memref<320x64xf32, #tpu.memory_space<vmem>>)
      %mul3A_359 = arith.constant 16 : i32
      %mul3A_360 = arith.muli %add3A_31, %mul3A_359 : i32
      %add3A_361 = arith.addi %mul3A_4, %mul3A_360 : i32
      %add3A_362 = arith.constant 0 : i32
      %add3A_363 = arith.addi %add3A_361, %add3A_362 : i32
      %dma_start3A_364 = arith.constant 0 : i32
      %dma_start3A_365 = arith.constant 0 : i32
      %dma_start3A_366 = tpu.memref_slice %arg7[%dma_start3A_364, %dma_start3A_365] : memref<320x64xf32, #tpu.memory_space<vmem>> -> memref<20x64xf32, #tpu.memory_space<vmem>>
      %dma_start3A_367 = arith.constant 0 : i32
      %dma_start3A_368 = arith.constant 0 : i32
      %dma_start3A_369 = tpu.memref_slice %arg4[%add3A_363, %dma_start3A_367, %dma_start3A_368] : memref<16384x20x64xf32, #tpu.memory_space<hbm>> -> memref<1x20x64xf32, #tpu.memory_space<hbm>>
      %dma_start3A_370 = tpu.memref_squeeze %dma_start3A_369 : memref<1x20x64xf32, #tpu.memory_space<hbm>> -> memref<20x64xf32, #tpu.memory_space<hbm>>
      %dma_start3A_371 = arith.constant 0 : i32
      %dma_start3A_372 = arith.constant 0 : i32
      %dma_start3A_373 = tpu.memref_slice %arg4[%add3A_363, %dma_start3A_371, %dma_start3A_372] : memref<16384x20x64xf32, #tpu.memory_space<hbm>> -> memref<1x20x64xf32, #tpu.memory_space<hbm>>
      %dma_start3A_374 = tpu.memref_squeeze %dma_start3A_373 : memref<1x20x64xf32, #tpu.memory_space<hbm>> -> memref<20x64xf32, #tpu.memory_space<hbm>>
      %dma_start3A_375 = arith.constant 0 : i32
      %dma_start3A_376 = arith.constant 0 : i32
      %dma_start3A_377 = tpu.memref_slice %arg7[%dma_start3A_375, %dma_start3A_376] : memref<320x64xf32, #tpu.memory_space<vmem>> -> memref<20x64xf32, #tpu.memory_space<vmem>>
      tpu.enqueue_dma source(%dma_start3A_377 : memref<20x64xf32, #tpu.memory_space<vmem>>) target(%dma_start3A_374 : memref<20x64xf32, #tpu.memory_space<hbm>>) target_semaphore(%arg11 : memref<!tpu.dma_semaphore, #tpu.memory_space<semaphore_mem>>)
      %mul3A_378 = arith.constant 16 : i32
      %mul3A_379 = arith.muli %add3A_31, %mul3A_378 : i32
      %add3A_380 = arith.addi %mul3A_4, %mul3A_379 : i32
      %add3A_381 = arith.constant 1 : i32
      %add3A_382 = arith.addi %add3A_380, %add3A_381 : i32
      %dma_start3A_383 = arith.constant 20 : i32
      %dma_start3A_384 = arith.constant 0 : i32
      %dma_start3A_385 = tpu.memref_slice %arg7[%dma_start3A_383, %dma_start3A_384] : memref<320x64xf32, #tpu.memory_space<vmem>> -> memref<20x64xf32, #tpu.memory_space<vmem>>
      %dma_start3A_386 = arith.constant 0 : i32
      %dma_start3A_387 = arith.constant 0 : i32
      %dma_start3A_388 = tpu.memref_slice %arg4[%add3A_382, %dma_start3A_386, %dma_start3A_387] : memref<16384x20x64xf32, #tpu.memory_space<hbm>> -> memref<1x20x64xf32, #tpu.memory_space<hbm>>
      %dma_start3A_389 = tpu.memref_squeeze %dma_start3A_388 : memref<1x20x64xf32, #tpu.memory_space<hbm>> -> memref<20x64xf32, #tpu.memory_space<hbm>>
      %dma_start3A_390 = arith.constant 0 : i32
      %dma_start3A_391 = arith.constant 0 : i32
      %dma_start3A_392 = tpu.memref_slice %arg4[%add3A_382, %dma_start3A_390, %dma_start3A_391] : memref<16384x20x64xf32, #tpu.memory_space<hbm>> -> memref<1x20x64xf32, #tpu.memory_space<hbm>>
      %dma_start3A_393 = tpu.memref_squeeze %dma_start3A_392 : memref<1x20x64xf32, #tpu.memory_space<hbm>> -> memref<20x64xf32, #tpu.memory_space<hbm>>
      %dma_start3A_394 = arith.constant 20 : i32
      %dma_start3A_395 = arith.constant 0 : i32
      %dma_start3A_396 = tpu.memref_slice %arg7[%dma_start3A_394, %dma_start3A_395] : memref<320x64xf32, #tpu.memory_space<vmem>> -> memref<20x64xf32, #tpu.memory_space<vmem>>
      tpu.enqueue_dma source(%dma_start3A_396 : memref<20x64xf32, #tpu.memory_space<vmem>>) target(%dma_start3A_393 : memref<20x64xf32, #tpu.memory_space<hbm>>) target_semaphore(%arg11 : memref<!tpu.dma_semaphore, #tpu.memory_space<semaphore_mem>>)
      %mul3A_397 = arith.constant 16 : i32
      %mul3A_398 = arith.muli %add3A_31, %mul3A_397 : i32
      %add3A_399 = arith.addi %mul3A_4, %mul3A_398 : i32
      %add3A_400 = arith.constant 2 : i32
      %add3A_401 = arith.addi %add3A_399, %add3A_400 : i32
      %dma_start3A_402 = arith.constant 40 : i32
      %dma_start3A_403 = arith.constant 0 : i32
      %dma_start3A_404 = tpu.memref_slice %arg7[%dma_start3A_402, %dma_start3A_403] : memref<320x64xf32, #tpu.memory_space<vmem>> -> memref<20x64xf32, #tpu.memory_space<vmem>>
      %dma_start3A_405 = arith.constant 0 : i32
      %dma_start3A_406 = arith.constant 0 : i32
      %dma_start3A_407 = tpu.memref_slice %arg4[%add3A_401, %dma_start3A_405, %dma_start3A_406] : memref<16384x20x64xf32, #tpu.memory_space<hbm>> -> memref<1x20x64xf32, #tpu.memory_space<hbm>>
      %dma_start3A_408 = tpu.memref_squeeze %dma_start3A_407 : memref<1x20x64xf32, #tpu.memory_space<hbm>> -> memref<20x64xf32, #tpu.memory_space<hbm>>
      %dma_start3A_409 = arith.constant 0 : i32
      %dma_start3A_410 = arith.constant 0 : i32
      %dma_start3A_411 = tpu.memref_slice %arg4[%add3A_401, %dma_start3A_409, %dma_start3A_410] : memref<16384x20x64xf32, #tpu.memory_space<hbm>> -> memref<1x20x64xf32, #tpu.memory_space<hbm>>
      %dma_start3A_412 = tpu.memref_squeeze %dma_start3A_411 : memref<1x20x64xf32, #tpu.memory_space<hbm>> -> memref<20x64xf32, #tpu.memory_space<hbm>>
      %dma_start3A_413 = arith.constant 40 : i32
      %dma_start3A_414 = arith.constant 0 : i32
      %dma_start3A_415 = tpu.memref_slice %arg7[%dma_start3A_413, %dma_start3A_414] : memref<320x64xf32, #tpu.memory_space<vmem>> -> memref<20x64xf32, #tpu.memory_space<vmem>>
      tpu.enqueue_dma source(%dma_start3A_415 : memref<20x64xf32, #tpu.memory_space<vmem>>) target(%dma_start3A_412 : memref<20x64xf32, #tpu.memory_space<hbm>>) target_semaphore(%arg11 : memref<!tpu.dma_semaphore, #tpu.memory_space<semaphore_mem>>)
      %mul3A_416 = arith.constant 16 : i32
      %mul3A_417 = arith.muli %add3A_31, %mul3A_416 : i32
      %add3A_418 = arith.addi %mul3A_4, %mul3A_417 : i32
      %add3A_419 = arith.constant 3 : i32
      %add3A_420 = arith.addi %add3A_418, %add3A_419 : i32
      %dma_start3A_421 = arith.constant 60 : i32
      %dma_start3A_422 = arith.constant 0 : i32
      %dma_start3A_423 = tpu.memref_slice %arg7[%dma_start3A_421, %dma_start3A_422] : memref<320x64xf32, #tpu.memory_space<vmem>> -> memref<20x64xf32, #tpu.memory_space<vmem>>
      %dma_start3A_424 = arith.constant 0 : i32
      %dma_start3A_425 = arith.constant 0 : i32
      %dma_start3A_426 = tpu.memref_slice %arg4[%add3A_420, %dma_start3A_424, %dma_start3A_425] : memref<16384x20x64xf32, #tpu.memory_space<hbm>> -> memref<1x20x64xf32, #tpu.memory_space<hbm>>
      %dma_start3A_427 = tpu.memref_squeeze %dma_start3A_426 : memref<1x20x64xf32, #tpu.memory_space<hbm>> -> memref<20x64xf32, #tpu.memory_space<hbm>>
      %dma_start3A_428 = arith.constant 0 : i32
      %dma_start3A_429 = arith.constant 0 : i32
      %dma_start3A_430 = tpu.memref_slice %arg4[%add3A_420, %dma_start3A_428, %dma_start3A_429] : memref<16384x20x64xf32, #tpu.memory_space<hbm>> -> memref<1x20x64xf32, #tpu.memory_space<hbm>>
      %dma_start3A_431 = tpu.memref_squeeze %dma_start3A_430 : memref<1x20x64xf32, #tpu.memory_space<hbm>> -> memref<20x64xf32, #tpu.memory_space<hbm>>
      %dma_start3A_432 = arith.constant 60 : i32
      %dma_start3A_433 = arith.constant 0 : i32
      %dma_start3A_434 = tpu.memref_slice %arg7[%dma_start3A_432, %dma_start3A_433] : memref<320x64xf32, #tpu.memory_space<vmem>> -> memref<20x64xf32, #tpu.memory_space<vmem>>
      tpu.enqueue_dma source(%dma_start3A_434 : memref<20x64xf32, #tpu.memory_space<vmem>>) target(%dma_start3A_431 : memref<20x64xf32, #tpu.memory_space<hbm>>) target_semaphore(%arg11 : memref<!tpu.dma_semaphore, #tpu.memory_space<semaphore_mem>>)
      %mul3A_435 = arith.constant 16 : i32
      %mul3A_436 = arith.muli %add3A_31, %mul3A_435 : i32
      %add3A_437 = arith.addi %mul3A_4, %mul3A_436 : i32
      %add3A_438 = arith.constant 4 : i32
      %add3A_439 = arith.addi %add3A_437, %add3A_438 : i32
      %dma_start3A_440 = arith.constant 80 : i32
      %dma_start3A_441 = arith.constant 0 : i32
      %dma_start3A_442 = tpu.memref_slice %arg7[%dma_start3A_440, %dma_start3A_441] : memref<320x64xf32, #tpu.memory_space<vmem>> -> memref<20x64xf32, #tpu.memory_space<vmem>>
      %dma_start3A_443 = arith.constant 0 : i32
      %dma_start3A_444 = arith.constant 0 : i32
      %dma_start3A_445 = tpu.memref_slice %arg4[%add3A_439, %dma_start3A_443, %dma_start3A_444] : memref<16384x20x64xf32, #tpu.memory_space<hbm>> -> memref<1x20x64xf32, #tpu.memory_space<hbm>>
      %dma_start3A_446 = tpu.memref_squeeze %dma_start3A_445 : memref<1x20x64xf32, #tpu.memory_space<hbm>> -> memref<20x64xf32, #tpu.memory_space<hbm>>
      %dma_start3A_447 = arith.constant 0 : i32
      %dma_start3A_448 = arith.constant 0 : i32
      %dma_start3A_449 = tpu.memref_slice %arg4[%add3A_439, %dma_start3A_447, %dma_start3A_448] : memref<16384x20x64xf32, #tpu.memory_space<hbm>> -> memref<1x20x64xf32, #tpu.memory_space<hbm>>
      %dma_start3A_450 = tpu.memref_squeeze %dma_start3A_449 : memref<1x20x64xf32, #tpu.memory_space<hbm>> -> memref<20x64xf32, #tpu.memory_space<hbm>>
      %dma_start3A_451 = arith.constant 80 : i32
      %dma_start3A_452 = arith.constant 0 : i32
      %dma_start3A_453 = tpu.memref_slice %arg7[%dma_start3A_451, %dma_start3A_452] : memref<320x64xf32, #tpu.memory_space<vmem>> -> memref<20x64xf32, #tpu.memory_space<vmem>>
      tpu.enqueue_dma source(%dma_start3A_453 : memref<20x64xf32, #tpu.memory_space<vmem>>) target(%dma_start3A_450 : memref<20x64xf32, #tpu.memory_space<hbm>>) target_semaphore(%arg11 : memref<!tpu.dma_semaphore, #tpu.memory_space<semaphore_mem>>)
      %mul3A_454 = arith.constant 16 : i32
      %mul3A_455 = arith.muli %add3A_31, %mul3A_454 : i32
      %add3A_456 = arith.addi %mul3A_4, %mul3A_455 : i32
      %add3A_457 = arith.constant 5 : i32
      %add3A_458 = arith.addi %add3A_456, %add3A_457 : i32
      %dma_start3A_459 = arith.constant 100 : i32
      %dma_start3A_460 = arith.constant 0 : i32
      %dma_start3A_461 = tpu.memref_slice %arg7[%dma_start3A_459, %dma_start3A_460] : memref<320x64xf32, #tpu.memory_space<vmem>> -> memref<20x64xf32, #tpu.memory_space<vmem>>
      %dma_start3A_462 = arith.constant 0 : i32
      %dma_start3A_463 = arith.constant 0 : i32
      %dma_start3A_464 = tpu.memref_slice %arg4[%add3A_458, %dma_start3A_462, %dma_start3A_463] : memref<16384x20x64xf32, #tpu.memory_space<hbm>> -> memref<1x20x64xf32, #tpu.memory_space<hbm>>
      %dma_start3A_465 = tpu.memref_squeeze %dma_start3A_464 : memref<1x20x64xf32, #tpu.memory_space<hbm>> -> memref<20x64xf32, #tpu.memory_space<hbm>>
      %dma_start3A_466 = arith.constant 0 : i32
      %dma_start3A_467 = arith.constant 0 : i32
      %dma_start3A_468 = tpu.memref_slice %arg4[%add3A_458, %dma_start3A_466, %dma_start3A_467] : memref<16384x20x64xf32, #tpu.memory_space<hbm>> -> memref<1x20x64xf32, #tpu.memory_space<hbm>>
      %dma_start3A_469 = tpu.memref_squeeze %dma_start3A_468 : memref<1x20x64xf32, #tpu.memory_space<hbm>> -> memref<20x64xf32, #tpu.memory_space<hbm>>
      %dma_start3A_470 = arith.constant 100 : i32
      %dma_start3A_471 = arith.constant 0 : i32
      %dma_start3A_472 = tpu.memref_slice %arg7[%dma_start3A_470, %dma_start3A_471] : memref<320x64xf32, #tpu.memory_space<vmem>> -> memref<20x64xf32, #tpu.memory_space<vmem>>
      tpu.enqueue_dma source(%dma_start3A_472 : memref<20x64xf32, #tpu.memory_space<vmem>>) target(%dma_start3A_469 : memref<20x64xf32, #tpu.memory_space<hbm>>) target_semaphore(%arg11 : memref<!tpu.dma_semaphore, #tpu.memory_space<semaphore_mem>>)
      %mul3A_473 = arith.constant 16 : i32
      %mul3A_474 = arith.muli %add3A_31, %mul3A_473 : i32
      %add3A_475 = arith.addi %mul3A_4, %mul3A_474 : i32
      %add3A_476 = arith.constant 6 : i32
      %add3A_477 = arith.addi %add3A_475, %add3A_476 : i32
      %dma_start3A_478 = arith.constant 120 : i32
      %dma_start3A_479 = arith.constant 0 : i32
      %dma_start3A_480 = tpu.memref_slice %arg7[%dma_start3A_478, %dma_start3A_479] : memref<320x64xf32, #tpu.memory_space<vmem>> -> memref<20x64xf32, #tpu.memory_space<vmem>>
      %dma_start3A_481 = arith.constant 0 : i32
      %dma_start3A_482 = arith.constant 0 : i32
      %dma_start3A_483 = tpu.memref_slice %arg4[%add3A_477, %dma_start3A_481, %dma_start3A_482] : memref<16384x20x64xf32, #tpu.memory_space<hbm>> -> memref<1x20x64xf32, #tpu.memory_space<hbm>>
      %dma_start3A_484 = tpu.memref_squeeze %dma_start3A_483 : memref<1x20x64xf32, #tpu.memory_space<hbm>> -> memref<20x64xf32, #tpu.memory_space<hbm>>
      %dma_start3A_485 = arith.constant 0 : i32
      %dma_start3A_486 = arith.constant 0 : i32
      %dma_start3A_487 = tpu.memref_slice %arg4[%add3A_477, %dma_start3A_485, %dma_start3A_486] : memref<16384x20x64xf32, #tpu.memory_space<hbm>> -> memref<1x20x64xf32, #tpu.memory_space<hbm>>
      %dma_start3A_488 = tpu.memref_squeeze %dma_start3A_487 : memref<1x20x64xf32, #tpu.memory_space<hbm>> -> memref<20x64xf32, #tpu.memory_space<hbm>>
      %dma_start3A_489 = arith.constant 120 : i32
      %dma_start3A_490 = arith.constant 0 : i32
      %dma_start3A_491 = tpu.memref_slice %arg7[%dma_start3A_489, %dma_start3A_490] : memref<320x64xf32, #tpu.memory_space<vmem>> -> memref<20x64xf32, #tpu.memory_space<vmem>>
      tpu.enqueue_dma source(%dma_start3A_491 : memref<20x64xf32, #tpu.memory_space<vmem>>) target(%dma_start3A_488 : memref<20x64xf32, #tpu.memory_space<hbm>>) target_semaphore(%arg11 : memref<!tpu.dma_semaphore, #tpu.memory_space<semaphore_mem>>)
      %mul3A_492 = arith.constant 16 : i32
      %mul3A_493 = arith.muli %add3A_31, %mul3A_492 : i32
      %add3A_494 = arith.addi %mul3A_4, %mul3A_493 : i32
      %add3A_495 = arith.constant 7 : i32
      %add3A_496 = arith.addi %add3A_494, %add3A_495 : i32
      %dma_start3A_497 = arith.constant 140 : i32
      %dma_start3A_498 = arith.constant 0 : i32
      %dma_start3A_499 = tpu.memref_slice %arg7[%dma_start3A_497, %dma_start3A_498] : memref<320x64xf32, #tpu.memory_space<vmem>> -> memref<20x64xf32, #tpu.memory_space<vmem>>
      %dma_start3A_500 = arith.constant 0 : i32
      %dma_start3A_501 = arith.constant 0 : i32
      %dma_start3A_502 = tpu.memref_slice %arg4[%add3A_496, %dma_start3A_500, %dma_start3A_501] : memref<16384x20x64xf32, #tpu.memory_space<hbm>> -> memref<1x20x64xf32, #tpu.memory_space<hbm>>
      %dma_start3A_503 = tpu.memref_squeeze %dma_start3A_502 : memref<1x20x64xf32, #tpu.memory_space<hbm>> -> memref<20x64xf32, #tpu.memory_space<hbm>>
      %dma_start3A_504 = arith.constant 0 : i32
      %dma_start3A_505 = arith.constant 0 : i32
      %dma_start3A_506 = tpu.memref_slice %arg4[%add3A_496, %dma_start3A_504, %dma_start3A_505] : memref<16384x20x64xf32, #tpu.memory_space<hbm>> -> memref<1x20x64xf32, #tpu.memory_space<hbm>>
      %dma_start3A_507 = tpu.memref_squeeze %dma_start3A_506 : memref<1x20x64xf32, #tpu.memory_space<hbm>> -> memref<20x64xf32, #tpu.memory_space<hbm>>
      %dma_start3A_508 = arith.constant 140 : i32
      %dma_start3A_509 = arith.constant 0 : i32
      %dma_start3A_510 = tpu.memref_slice %arg7[%dma_start3A_508, %dma_start3A_509] : memref<320x64xf32, #tpu.memory_space<vmem>> -> memref<20x64xf32, #tpu.memory_space<vmem>>
      tpu.enqueue_dma source(%dma_start3A_510 : memref<20x64xf32, #tpu.memory_space<vmem>>) target(%dma_start3A_507 : memref<20x64xf32, #tpu.memory_space<hbm>>) target_semaphore(%arg11 : memref<!tpu.dma_semaphore, #tpu.memory_space<semaphore_mem>>)
      %mul3A_511 = arith.constant 16 : i32
      %mul3A_512 = arith.muli %add3A_31, %mul3A_511 : i32
      %add3A_513 = arith.addi %mul3A_4, %mul3A_512 : i32
      %add3A_514 = arith.constant 8 : i32
      %add3A_515 = arith.addi %add3A_513, %add3A_514 : i32
      %dma_start3A_516 = arith.constant 160 : i32
      %dma_start3A_517 = arith.constant 0 : i32
      %dma_start3A_518 = tpu.memref_slice %arg7[%dma_start3A_516, %dma_start3A_517] : memref<320x64xf32, #tpu.memory_space<vmem>> -> memref<20x64xf32, #tpu.memory_space<vmem>>
      %dma_start3A_519 = arith.constant 0 : i32
      %dma_start3A_520 = arith.constant 0 : i32
      %dma_start3A_521 = tpu.memref_slice %arg4[%add3A_515, %dma_start3A_519, %dma_start3A_520] : memref<16384x20x64xf32, #tpu.memory_space<hbm>> -> memref<1x20x64xf32, #tpu.memory_space<hbm>>
      %dma_start3A_522 = tpu.memref_squeeze %dma_start3A_521 : memref<1x20x64xf32, #tpu.memory_space<hbm>> -> memref<20x64xf32, #tpu.memory_space<hbm>>
      %dma_start3A_523 = arith.constant 0 : i32
      %dma_start3A_524 = arith.constant 0 : i32
      %dma_start3A_525 = tpu.memref_slice %arg4[%add3A_515, %dma_start3A_523, %dma_start3A_524] : memref<16384x20x64xf32, #tpu.memory_space<hbm>> -> memref<1x20x64xf32, #tpu.memory_space<hbm>>
      %dma_start3A_526 = tpu.memref_squeeze %dma_start3A_525 : memref<1x20x64xf32, #tpu.memory_space<hbm>> -> memref<20x64xf32, #tpu.memory_space<hbm>>
      %dma_start3A_527 = arith.constant 160 : i32
      %dma_start3A_528 = arith.constant 0 : i32
      %dma_start3A_529 = tpu.memref_slice %arg7[%dma_start3A_527, %dma_start3A_528] : memref<320x64xf32, #tpu.memory_space<vmem>> -> memref<20x64xf32, #tpu.memory_space<vmem>>
      tpu.enqueue_dma source(%dma_start3A_529 : memref<20x64xf32, #tpu.memory_space<vmem>>) target(%dma_start3A_526 : memref<20x64xf32, #tpu.memory_space<hbm>>) target_semaphore(%arg11 : memref<!tpu.dma_semaphore, #tpu.memory_space<semaphore_mem>>)
      %mul3A_530 = arith.constant 16 : i32
      %mul3A_531 = arith.muli %add3A_31, %mul3A_530 : i32
      %add3A_532 = arith.addi %mul3A_4, %mul3A_531 : i32
      %add3A_533 = arith.constant 9 : i32
      %add3A_534 = arith.addi %add3A_532, %add3A_533 : i32
      %dma_start3A_535 = arith.constant 180 : i32
      %dma_start3A_536 = arith.constant 0 : i32
      %dma_start3A_537 = tpu.memref_slice %arg7[%dma_start3A_535, %dma_start3A_536] : memref<320x64xf32, #tpu.memory_space<vmem>> -> memref<20x64xf32, #tpu.memory_space<vmem>>
      %dma_start3A_538 = arith.constant 0 : i32
      %dma_start3A_539 = arith.constant 0 : i32
      %dma_start3A_540 = tpu.memref_slice %arg4[%add3A_534, %dma_start3A_538, %dma_start3A_539] : memref<16384x20x64xf32, #tpu.memory_space<hbm>> -> memref<1x20x64xf32, #tpu.memory_space<hbm>>
      %dma_start3A_541 = tpu.memref_squeeze %dma_start3A_540 : memref<1x20x64xf32, #tpu.memory_space<hbm>> -> memref<20x64xf32, #tpu.memory_space<hbm>>
      %dma_start3A_542 = arith.constant 0 : i32
      %dma_start3A_543 = arith.constant 0 : i32
      %dma_start3A_544 = tpu.memref_slice %arg4[%add3A_534, %dma_start3A_542, %dma_start3A_543] : memref<16384x20x64xf32, #tpu.memory_space<hbm>> -> memref<1x20x64xf32, #tpu.memory_space<hbm>>
      %dma_start3A_545 = tpu.memref_squeeze %dma_start3A_544 : memref<1x20x64xf32, #tpu.memory_space<hbm>> -> memref<20x64xf32, #tpu.memory_space<hbm>>
      %dma_start3A_546 = arith.constant 180 : i32
      %dma_start3A_547 = arith.constant 0 : i32
      %dma_start3A_548 = tpu.memref_slice %arg7[%dma_start3A_546, %dma_start3A_547] : memref<320x64xf32, #tpu.memory_space<vmem>> -> memref<20x64xf32, #tpu.memory_space<vmem>>
      tpu.enqueue_dma source(%dma_start3A_548 : memref<20x64xf32, #tpu.memory_space<vmem>>) target(%dma_start3A_545 : memref<20x64xf32, #tpu.memory_space<hbm>>) target_semaphore(%arg11 : memref<!tpu.dma_semaphore, #tpu.memory_space<semaphore_mem>>)
      %mul3A_549 = arith.constant 16 : i32
      %mul3A_550 = arith.muli %add3A_31, %mul3A_549 : i32
      %add3A_551 = arith.addi %mul3A_4, %mul3A_550 : i32
      %add3A_552 = arith.constant 10 : i32
      %add3A_553 = arith.addi %add3A_551, %add3A_552 : i32
      %dma_start3A_554 = arith.constant 200 : i32
      %dma_start3A_555 = arith.constant 0 : i32
      %dma_start3A_556 = tpu.memref_slice %arg7[%dma_start3A_554, %dma_start3A_555] : memref<320x64xf32, #tpu.memory_space<vmem>> -> memref<20x64xf32, #tpu.memory_space<vmem>>
      %dma_start3A_557 = arith.constant 0 : i32
      %dma_start3A_558 = arith.constant 0 : i32
      %dma_start3A_559 = tpu.memref_slice %arg4[%add3A_553, %dma_start3A_557, %dma_start3A_558] : memref<16384x20x64xf32, #tpu.memory_space<hbm>> -> memref<1x20x64xf32, #tpu.memory_space<hbm>>
      %dma_start3A_560 = tpu.memref_squeeze %dma_start3A_559 : memref<1x20x64xf32, #tpu.memory_space<hbm>> -> memref<20x64xf32, #tpu.memory_space<hbm>>
      %dma_start3A_561 = arith.constant 0 : i32
      %dma_start3A_562 = arith.constant 0 : i32
      %dma_start3A_563 = tpu.memref_slice %arg4[%add3A_553, %dma_start3A_561, %dma_start3A_562] : memref<16384x20x64xf32, #tpu.memory_space<hbm>> -> memref<1x20x64xf32, #tpu.memory_space<hbm>>
      %dma_start3A_564 = tpu.memref_squeeze %dma_start3A_563 : memref<1x20x64xf32, #tpu.memory_space<hbm>> -> memref<20x64xf32, #tpu.memory_space<hbm>>
      %dma_start3A_565 = arith.constant 200 : i32
      %dma_start3A_566 = arith.constant 0 : i32
      %dma_start3A_567 = tpu.memref_slice %arg7[%dma_start3A_565, %dma_start3A_566] : memref<320x64xf32, #tpu.memory_space<vmem>> -> memref<20x64xf32, #tpu.memory_space<vmem>>
      tpu.enqueue_dma source(%dma_start3A_567 : memref<20x64xf32, #tpu.memory_space<vmem>>) target(%dma_start3A_564 : memref<20x64xf32, #tpu.memory_space<hbm>>) target_semaphore(%arg11 : memref<!tpu.dma_semaphore, #tpu.memory_space<semaphore_mem>>)
      %mul3A_568 = arith.constant 16 : i32
      %mul3A_569 = arith.muli %add3A_31, %mul3A_568 : i32
      %add3A_570 = arith.addi %mul3A_4, %mul3A_569 : i32
      %add3A_571 = arith.constant 11 : i32
      %add3A_572 = arith.addi %add3A_570, %add3A_571 : i32
      %dma_start3A_573 = arith.constant 220 : i32
      %dma_start3A_574 = arith.constant 0 : i32
      %dma_start3A_575 = tpu.memref_slice %arg7[%dma_start3A_573, %dma_start3A_574] : memref<320x64xf32, #tpu.memory_space<vmem>> -> memref<20x64xf32, #tpu.memory_space<vmem>>
      %dma_start3A_576 = arith.constant 0 : i32
      %dma_start3A_577 = arith.constant 0 : i32
      %dma_start3A_578 = tpu.memref_slice %arg4[%add3A_572, %dma_start3A_576, %dma_start3A_577] : memref<16384x20x64xf32, #tpu.memory_space<hbm>> -> memref<1x20x64xf32, #tpu.memory_space<hbm>>
      %dma_start3A_579 = tpu.memref_squeeze %dma_start3A_578 : memref<1x20x64xf32, #tpu.memory_space<hbm>> -> memref<20x64xf32, #tpu.memory_space<hbm>>
      %dma_start3A_580 = arith.constant 0 : i32
      %dma_start3A_581 = arith.constant 0 : i32
      %dma_start3A_582 = tpu.memref_slice %arg4[%add3A_572, %dma_start3A_580, %dma_start3A_581] : memref<16384x20x64xf32, #tpu.memory_space<hbm>> -> memref<1x20x64xf32, #tpu.memory_space<hbm>>
      %dma_start3A_583 = tpu.memref_squeeze %dma_start3A_582 : memref<1x20x64xf32, #tpu.memory_space<hbm>> -> memref<20x64xf32, #tpu.memory_space<hbm>>
      %dma_start3A_584 = arith.constant 220 : i32
      %dma_start3A_585 = arith.constant 0 : i32
      %dma_start3A_586 = tpu.memref_slice %arg7[%dma_start3A_584, %dma_start3A_585] : memref<320x64xf32, #tpu.memory_space<vmem>> -> memref<20x64xf32, #tpu.memory_space<vmem>>
      tpu.enqueue_dma source(%dma_start3A_586 : memref<20x64xf32, #tpu.memory_space<vmem>>) target(%dma_start3A_583 : memref<20x64xf32, #tpu.memory_space<hbm>>) target_semaphore(%arg11 : memref<!tpu.dma_semaphore, #tpu.memory_space<semaphore_mem>>)
      %mul3A_587 = arith.constant 16 : i32
      %mul3A_588 = arith.muli %add3A_31, %mul3A_587 : i32
      %add3A_589 = arith.addi %mul3A_4, %mul3A_588 : i32
      %add3A_590 = arith.constant 12 : i32
      %add3A_591 = arith.addi %add3A_589, %add3A_590 : i32
      %dma_start3A_592 = arith.constant 240 : i32
      %dma_start3A_593 = arith.constant 0 : i32
      %dma_start3A_594 = tpu.memref_slice %arg7[%dma_start3A_592, %dma_start3A_593] : memref<320x64xf32, #tpu.memory_space<vmem>> -> memref<20x64xf32, #tpu.memory_space<vmem>>
      %dma_start3A_595 = arith.constant 0 : i32
      %dma_start3A_596 = arith.constant 0 : i32
      %dma_start3A_597 = tpu.memref_slice %arg4[%add3A_591, %dma_start3A_595, %dma_start3A_596] : memref<16384x20x64xf32, #tpu.memory_space<hbm>> -> memref<1x20x64xf32, #tpu.memory_space<hbm>>
      %dma_start3A_598 = tpu.memref_squeeze %dma_start3A_597 : memref<1x20x64xf32, #tpu.memory_space<hbm>> -> memref<20x64xf32, #tpu.memory_space<hbm>>
      %dma_start3A_599 = arith.constant 0 : i32
      %dma_start3A_600 = arith.constant 0 : i32
      %dma_start3A_601 = tpu.memref_slice %arg4[%add3A_591, %dma_start3A_599, %dma_start3A_600] : memref<16384x20x64xf32, #tpu.memory_space<hbm>> -> memref<1x20x64xf32, #tpu.memory_space<hbm>>
      %dma_start3A_602 = tpu.memref_squeeze %dma_start3A_601 : memref<1x20x64xf32, #tpu.memory_space<hbm>> -> memref<20x64xf32, #tpu.memory_space<hbm>>
      %dma_start3A_603 = arith.constant 240 : i32
      %dma_start3A_604 = arith.constant 0 : i32
      %dma_start3A_605 = tpu.memref_slice %arg7[%dma_start3A_603, %dma_start3A_604] : memref<320x64xf32, #tpu.memory_space<vmem>> -> memref<20x64xf32, #tpu.memory_space<vmem>>
      tpu.enqueue_dma source(%dma_start3A_605 : memref<20x64xf32, #tpu.memory_space<vmem>>) target(%dma_start3A_602 : memref<20x64xf32, #tpu.memory_space<hbm>>) target_semaphore(%arg11 : memref<!tpu.dma_semaphore, #tpu.memory_space<semaphore_mem>>)
      %mul3A_606 = arith.constant 16 : i32
      %mul3A_607 = arith.muli %add3A_31, %mul3A_606 : i32
      %add3A_608 = arith.addi %mul3A_4, %mul3A_607 : i32
      %add3A_609 = arith.constant 13 : i32
      %add3A_610 = arith.addi %add3A_608, %add3A_609 : i32
      %dma_start3A_611 = arith.constant 260 : i32
      %dma_start3A_612 = arith.constant 0 : i32
      %dma_start3A_613 = tpu.memref_slice %arg7[%dma_start3A_611, %dma_start3A_612] : memref<320x64xf32, #tpu.memory_space<vmem>> -> memref<20x64xf32, #tpu.memory_space<vmem>>
      %dma_start3A_614 = arith.constant 0 : i32
      %dma_start3A_615 = arith.constant 0 : i32
      %dma_start3A_616 = tpu.memref_slice %arg4[%add3A_610, %dma_start3A_614, %dma_start3A_615] : memref<16384x20x64xf32, #tpu.memory_space<hbm>> -> memref<1x20x64xf32, #tpu.memory_space<hbm>>
      %dma_start3A_617 = tpu.memref_squeeze %dma_start3A_616 : memref<1x20x64xf32, #tpu.memory_space<hbm>> -> memref<20x64xf32, #tpu.memory_space<hbm>>
      %dma_start3A_618 = arith.constant 0 : i32
      %dma_start3A_619 = arith.constant 0 : i32
      %dma_start3A_620 = tpu.memref_slice %arg4[%add3A_610, %dma_start3A_618, %dma_start3A_619] : memref<16384x20x64xf32, #tpu.memory_space<hbm>> -> memref<1x20x64xf32, #tpu.memory_space<hbm>>
      %dma_start3A_621 = tpu.memref_squeeze %dma_start3A_620 : memref<1x20x64xf32, #tpu.memory_space<hbm>> -> memref<20x64xf32, #tpu.memory_space<hbm>>
      %dma_start3A_622 = arith.constant 260 : i32
      %dma_start3A_623 = arith.constant 0 : i32
      %dma_start3A_624 = tpu.memref_slice %arg7[%dma_start3A_622, %dma_start3A_623] : memref<320x64xf32, #tpu.memory_space<vmem>> -> memref<20x64xf32, #tpu.memory_space<vmem>>
      tpu.enqueue_dma source(%dma_start3A_624 : memref<20x64xf32, #tpu.memory_space<vmem>>) target(%dma_start3A_621 : memref<20x64xf32, #tpu.memory_space<hbm>>) target_semaphore(%arg11 : memref<!tpu.dma_semaphore, #tpu.memory_space<semaphore_mem>>)
      %mul3A_625 = arith.constant 16 : i32
      %mul3A_626 = arith.muli %add3A_31, %mul3A_625 : i32
      %add3A_627 = arith.addi %mul3A_4, %mul3A_626 : i32
      %add3A_628 = arith.constant 14 : i32
      %add3A_629 = arith.addi %add3A_627, %add3A_628 : i32
      %dma_start3A_630 = arith.constant 280 : i32
      %dma_start3A_631 = arith.constant 0 : i32
      %dma_start3A_632 = tpu.memref_slice %arg7[%dma_start3A_630, %dma_start3A_631] : memref<320x64xf32, #tpu.memory_space<vmem>> -> memref<20x64xf32, #tpu.memory_space<vmem>>
      %dma_start3A_633 = arith.constant 0 : i32
      %dma_start3A_634 = arith.constant 0 : i32
      %dma_start3A_635 = tpu.memref_slice %arg4[%add3A_629, %dma_start3A_633, %dma_start3A_634] : memref<16384x20x64xf32, #tpu.memory_space<hbm>> -> memref<1x20x64xf32, #tpu.memory_space<hbm>>
      %dma_start3A_636 = tpu.memref_squeeze %dma_start3A_635 : memref<1x20x64xf32, #tpu.memory_space<hbm>> -> memref<20x64xf32, #tpu.memory_space<hbm>>
      %dma_start3A_637 = arith.constant 0 : i32
      %dma_start3A_638 = arith.constant 0 : i32
      %dma_start3A_639 = tpu.memref_slice %arg4[%add3A_629, %dma_start3A_637, %dma_start3A_638] : memref<16384x20x64xf32, #tpu.memory_space<hbm>> -> memref<1x20x64xf32, #tpu.memory_space<hbm>>
      %dma_start3A_640 = tpu.memref_squeeze %dma_start3A_639 : memref<1x20x64xf32, #tpu.memory_space<hbm>> -> memref<20x64xf32, #tpu.memory_space<hbm>>
      %dma_start3A_641 = arith.constant 280 : i32
      %dma_start3A_642 = arith.constant 0 : i32
      %dma_start3A_643 = tpu.memref_slice %arg7[%dma_start3A_641, %dma_start3A_642] : memref<320x64xf32, #tpu.memory_space<vmem>> -> memref<20x64xf32, #tpu.memory_space<vmem>>
      tpu.enqueue_dma source(%dma_start3A_643 : memref<20x64xf32, #tpu.memory_space<vmem>>) target(%dma_start3A_640 : memref<20x64xf32, #tpu.memory_space<hbm>>) target_semaphore(%arg11 : memref<!tpu.dma_semaphore, #tpu.memory_space<semaphore_mem>>)
      %mul3A_644 = arith.constant 16 : i32
      %mul3A_645 = arith.muli %add3A_31, %mul3A_644 : i32
      %add3A_646 = arith.addi %mul3A_4, %mul3A_645 : i32
      %add3A_647 = arith.constant 15 : i32
      %add3A_648 = arith.addi %add3A_646, %add3A_647 : i32
      %dma_start3A_649 = arith.constant 300 : i32
      %dma_start3A_650 = arith.constant 0 : i32
      %dma_start3A_651 = tpu.memref_slice %arg7[%dma_start3A_649, %dma_start3A_650] : memref<320x64xf32, #tpu.memory_space<vmem>> -> memref<20x64xf32, #tpu.memory_space<vmem>>
      %dma_start3A_652 = arith.constant 0 : i32
      %dma_start3A_653 = arith.constant 0 : i32
      %dma_start3A_654 = tpu.memref_slice %arg4[%add3A_648, %dma_start3A_652, %dma_start3A_653] : memref<16384x20x64xf32, #tpu.memory_space<hbm>> -> memref<1x20x64xf32, #tpu.memory_space<hbm>>
      %dma_start3A_655 = tpu.memref_squeeze %dma_start3A_654 : memref<1x20x64xf32, #tpu.memory_space<hbm>> -> memref<20x64xf32, #tpu.memory_space<hbm>>
      %dma_start3A_656 = arith.constant 0 : i32
      %dma_start3A_657 = arith.constant 0 : i32
      %dma_start3A_658 = tpu.memref_slice %arg4[%add3A_648, %dma_start3A_656, %dma_start3A_657] : memref<16384x20x64xf32, #tpu.memory_space<hbm>> -> memref<1x20x64xf32, #tpu.memory_space<hbm>>
      %dma_start3A_659 = tpu.memref_squeeze %dma_start3A_658 : memref<1x20x64xf32, #tpu.memory_space<hbm>> -> memref<20x64xf32, #tpu.memory_space<hbm>>
      %dma_start3A_660 = arith.constant 300 : i32
      %dma_start3A_661 = arith.constant 0 : i32
      %dma_start3A_662 = tpu.memref_slice %arg7[%dma_start3A_660, %dma_start3A_661] : memref<320x64xf32, #tpu.memory_space<vmem>> -> memref<20x64xf32, #tpu.memory_space<vmem>>
      tpu.enqueue_dma source(%dma_start3A_662 : memref<20x64xf32, #tpu.memory_space<vmem>>) target(%dma_start3A_659 : memref<20x64xf32, #tpu.memory_space<hbm>>) target_semaphore(%arg11 : memref<!tpu.dma_semaphore, #tpu.memory_space<semaphore_mem>>)
    }
    %scan3A_15 = arith.constant 16 : i32
    %dma_wait3A = arith.constant 0 : i32
    %dma_wait3A_16 = arith.constant 0 : i32
    %dma_wait3A_17 = tpu.memref_slice %arg2[%dma_wait3A, %dma_wait3A_16] : memref<1000000x64xf32, #tpu.memory_space<hbm>> -> memref<320x64xf32, #tpu.memory_space<hbm>>
    %dma_wait3A_18 = arith.constant 0 : i32
    %dma_wait3A_19 = arith.constant 0 : i32
    %dma_wait3A_20 = tpu.memref_slice %arg2[%dma_wait3A_18, %dma_wait3A_19] : memref<1000000x64xf32, #tpu.memory_space<hbm>> -> memref<320x64xf32, #tpu.memory_space<hbm>>
    tpu.wait_dma2 semaphore(%arg10 : memref<!tpu.dma_semaphore, #tpu.memory_space<semaphore_mem>>) src(%dma_wait3A_20 : memref<320x64xf32, #tpu.memory_space<hbm>>) dst(%arg6 : memref<320x64xf32, #tpu.memory_space<vmem>>)
    %dma_wait3A_21 = arith.constant 0 : i32
    %dma_wait3A_22 = arith.constant 0 : i32
    %dma_wait3A_23 = tpu.memref_slice %arg2[%dma_wait3A_21, %dma_wait3A_22] : memref<1000000x64xf32, #tpu.memory_space<hbm>> -> memref<320x64xf32, #tpu.memory_space<hbm>>
    %dma_wait3A_24 = arith.constant 0 : i32
    %dma_wait3A_25 = arith.constant 0 : i32
    %dma_wait3A_26 = tpu.memref_slice %arg2[%dma_wait3A_24, %dma_wait3A_25] : memref<1000000x64xf32, #tpu.memory_space<hbm>> -> memref<320x64xf32, #tpu.memory_space<hbm>>
    tpu.wait_dma2 semaphore(%arg11 : memref<!tpu.dma_semaphore, #tpu.memory_space<semaphore_mem>>) src(%dma_wait3A_26 : memref<320x64xf32, #tpu.memory_space<hbm>>) dst(%arg7 : memref<320x64xf32, #tpu.memory_space<vmem>>)
    return
  }
}

</mosaic_0001>

<sc_bundles>
// kernel: kernel.3.cloned.1.call-start
scs
__scs_entry_jumppad:
0x0: {  	(pc) =	sbr.rel $0x88, $3  }
0x1: {  	(tag) =	ssettag $0x0;
	lr =	simm.s32 $0x1  }
0x2: {  	[smem:$0x3F9F] =	sst lr;
	_ =	strace $0xD0000000  }
0x3: {  	_ = 	snop  }
0x4: {  	_ = 	snop  }
0x5: {  	_ = 	snop  }
0x6: {  	_ = 	snop  }
0x7: {  	_ = 	snop  }
__scs_overlays_trampoline_lowered:
0x8: {  	[smem:$0x3FAE] =	sst s0  }
0x9: {  	[smem:$0x3FAF] =	sst s1  }
0xa: {  	[smem:$0x3FB0] =	sst s2  }
0xb: {  	[smem:$0x3FB1] =	sst s3  }
0xc: {  	[smem:$0x3FB2] =	sst s4  }
0xd: {  	[smem:$0x3FB3] =	sst s5  }
0xe: {  	[smem:$0x3FB4] =	sst s6  }
0xf: {  	[smem:$0x3FB5] =	sst s7  }
0x10: {  	[smem:$0x3FB6] =	sst s8  }
0x11: {  	[smem:$0x3FB7] =	sst s9;
	s0 =	simm.s32 @!p0 $0x0  }
0x12: {  	s1 =	sld [smem:$0x3F9D];
	s0 =	simm.s32 @p0 $0x1  }
0x13: {  	[smem:$0x3FB8] =	sst s0;
	s0 =	simm.s32 @!p1 $0x0  }
0x14: {  	s2 =	sld [smem:$0x3F9C];
	s0 =	simm.s32 @p1 $0x1  }
0x15: {  	[smem:$0x3FB9] =	sst s0;
	s0 =	simm.s32 @!p2 $0x0  }
0x16: {  	s3 =	sld [smem:$0x3FDB];
	s0 =	simm.s32 @p2 $0x1  }
0x17: {  	s4 =	simm.s32 $0x1BF5;
	[smem:$0x3FBB] =	sst s0  }
0x18: {  	s0 =	sld [smem:$0x3F9E];
	_ =	swait.ge [sflag:s4], $0x0  }
0x19: {  	s7 =	sld [smem:$0x3F9F]  }
0x1a: {  	s8 =	sadd.s32 $0xFFFFE003, lr  }
0x1b: {  	s9 =	sadd.s32 $0xFFFFFEF7, lr;
	s5 =	simm.s32 $0xFFFFFFFF;
	p2 =	slt.u32 s8, $0xFFFFF086  }
0x1c: {  	p1 =	slt.u32 s9, $0xF7A;
	s5 =	simm.s32 @!p2 $0x0  }
0x1d: {  	s5 =	simm.s32 @p1 $0x1;
	p0 =	seq.s32 s7, s2  }
0x1e: {  	s7 =	smul.u32 @!p0 $0xF7A, s2;
	p2 =	seq.s32 @!p0 s5, $0x0  }
0x1f: {  	s9 =	smul.u32 $0xF7A, s1;
	s8 =	simm.s32 @!p0 $0x1BF5;
	p2 =	por !p2, p0  }
0x20: {  	[sflag:s8] =	ssyncset.s32 @!p0 $0xFFFFF086;
	s6 =	sadd.s32 @!p0 s3, s7;
	s7 =	simm.s32 @!p0 $0x108  }
0x21: {  	s3 =	sadd.s32 s3, s9;
	s6 =	sadd.s32 @!p0 $0x88, s6;
	s7 =	simm.s32 @p2 $0x1082  }
0x22: {  	[simem:s7], [sflag:s8] =	dma.local @!p0 [hbm:s6], $0xF7A  }
0x23: {  	s9 =	sor.u32 $0xD0000000, s2;
	s6 =	simm.s32 $0x108;
	_ =	swait.ge @!p0 [sflag:s8], $0x0  }
0x24: {  	s3 =	sadd.s32 $0x88, s3;
	s6 =	simm.s32 @!p1 $0x1082;
	[sflag:s4] =	ssyncset.s32 $0xFFFFF086  }
0x25: {  	[simem:s6], [sflag:s4] =	dma.local [hbm:s3], $0xF7A  }
0x26: {  	[smem:$0x3F9F] =	sst s1;
	(tag) =	ssettag s2;
	_ =	strace s9  }
0x27: {  	s1 =	sld [smem:$0x3FAF]  }
0x28: {  	s2 =	sld [smem:$0x3FB0]  }
0x29: {  	s4 =	sld [smem:$0x3FB2]  }
0x2a: {  	p0 =	seq.s32 s5, $0x0;
	s5 =	sld [smem:$0x3FB3]  }
0x2b: {  	s6 =	sld [smem:$0x3FB4]  }
0x2c: {  	s7 =	sld [smem:$0x3FB5]  }
0x2d: {  	s3 =	simm.s32 $0x108;
	s8 =	sld [smem:$0x3FB6]  }
0x2e: {  	s3 =	simm.s32 @!p0 $0x1082;
	s9 =	sld [smem:$0x3FB7]  }
0x2f: {  	lr =	sadd.s32 s0, s3;
	s0 =	sld [smem:$0x3FAE]  }
0x30: {  	s3 =	sld [smem:$0x3FB1]  }
0x31: {  	[smem:$0x3FBA] =	sst s10  }
0x32: {  	s10 =	sld [smem:$0x3FB8];
	_ =	sdelay $0x3  }
0x33: {  	p0 =	seq.s32 s10, $0x1;
	s10 =	sld [smem:$0x3FBA];
	_ =	sdelay $0x3  }
0x34: {  	[smem:$0x3FBA] =	sst s10  }
0x35: {  	s10 =	sld [smem:$0x3FB9];
	_ =	sdelay $0x3  }
0x36: {  	p1 =	seq.s32 s10, $0x1;
	s10 =	sld [smem:$0x3FBA];
	_ =	sdelay $0x3  }
0x37: {  	[smem:$0x3FBA] =	sst s10  }
0x38: {  	s10 =	sld [smem:$0x3FBB]  }
0x39: {  	_ = 	snop;
	(pc) =	sbr.ind lr, $3  }
0x3a: {  	_ = 	snop  }
0x3b: {  	_ = 	snop  }
0x3c: {  	p2 =	seq.s32 s10, $0x1;
	s10 =	sld [smem:$0x3FBA]  }
0x3d: {  	_ =	shalt  }
0x3e: {  	_ =	shalt  }
0x3f: {  	_ =	shalt  }
0x40: {  	_ =	shalt  }
0x41: {  	_ =	shalt  }
0x42: {  	_ =	shalt  }
0x43: {  	_ =	shalt  }
0x44: {  	_ =	shalt  }
0x45: {  	_ =	shalt  }
0x46: {  	_ =	shalt  }
0x47: {  	_ =	shalt  }
0x48: {  	_ =	shalt  }
0x49: {  	_ =	shalt  }
0x4a: {  	_ =	shalt  }
0x4b: {  	_ =	shalt  }
0x4c: {  	_ =	shalt  }
0x4d: {  	_ =	shalt  }
0x4e: {  	_ =	shalt  }
0x4f: {  	_ =	shalt  }
0x50: {  	_ =	shalt  }
0x51: {  	_ =	shalt  }
0x52: {  	_ =	shalt  }
0x53: {  	_ =	shalt  }
0x54: {  	_ =	shalt  }
0x55: {  	_ =	shalt  }
0x56: {  	_ =	shalt  }
0x57: {  	_ =	shalt  }
0x58: {  	_ =	shalt  }
0x59: {  	_ =	shalt  }
0x5a: {  	_ =	shalt  }
0x5b: {  	_ =	shalt  }
0x5c: {  	_ =	shalt  }
0x5d: {  	_ =	shalt  }
0x5e: {  	_ =	shalt  }
0x5f: {  	_ =	shalt  }
0x60: {  	_ =	shalt  }
0x61: {  	_ =	shalt  }
0x62: {  	_ =	shalt  }
0x63: {  	_ =	shalt  }
0x64: {  	_ =	shalt  }
0x65: {  	_ =	shalt  }
0x66: {  	_ =	shalt  }
0x67: {  	_ =	shalt  }
0x68: {  	_ =	shalt  }
0x69: {  	_ =	shalt  }
0x6a: {  	_ =	shalt  }
0x6b: {  	_ =	shalt  }
0x6c: {  	_ =	shalt  }
0x6d: {  	_ =	shalt  }
0x6e: {  	_ =	shalt  }
0x6f: {  	_ =	shalt  }
0x70: {  	_ =	shalt  }
0x71: {  	_ =	shalt  }
0x72: {  	_ =	shalt  }
0x73: {  	_ =	shalt  }
0x74: {  	_ =	shalt  }
0x75: {  	_ =	shalt  }
0x76: {  	_ =	shalt  }
0x77: {  	_ =	shalt  }
0x78: {  	_ =	shalt  }
0x79: {  	_ =	shalt  }
0x7a: {  	_ =	shalt  }
0x7b: {  	_ =	shalt  }
0x7c: {  	_ =	shalt  }
0x7d: {  	_ =	shalt  }
0x7e: {  	_ =	shalt  }
0x7f: {  	_ =	shalt  }
0x80: {  	_ =	shalt  }
0x81: {  	_ =	shalt  }
0x82: {  	_ =	shalt  }
0x83: {  	_ =	shalt  }
0x84: {  	_ =	shalt  }
0x85: {  	_ =	shalt  }
0x86: {  	_ =	shalt  }
0x87: {  	_ =	shalt  }
.Lfunc_end0:
.L_simem_size_0:
called_computation_lowered:
.L_overlay_start_0:
0x88: {  	s2 =	sld [smem:$0x3FD9]  }
0x89: {  	s3 =	sld [smem:$0x3FFE];
	_ =	sdelay $0x1  }
0x8a: {  	s1 =	srdreg.scid  }
0x8b: {  	s0 =	sand.u32 $0x1, s1  }
0x8c: {  	s17 =	sshll.u32 s0, $0xA;
	s2 =	sadd.s32 s3, s2  }
0x8d: {  	s2 =	sadd.s32 s2, s17  }
0x8e: {  	[smem:$0x3FC6] =	sst s2  }
0x8f: {  	_ = 	snop  }
0x90: {  	s2 =	sld [smem:$0x3FD0];
	(tm) =	ssettm $0x1  }
0x91: {  	s18 =	sld [smem:$0x3FFB];
	_ =	sdelay $0x3  }
0x92: {  	_ =	strace s18  }
0x93: {  	s3 =	sld [smem:$0x3FFC];
	_ =	sdelay $0x3  }
0x94: {  	_ =	strace s3  }
0x95: {  	s3 =	sld [smem:$0x3FFD];
	_ =	sdelay $0x3  }
0x96: {  	_ =	strace s3  }
0x97: {  	_ =	strace $0x8FFFFFFF  }
0x98: {  	s19 =	sld [smem:$0x3FDB];
	_ =	sdelay $0x1  }
0x99: {  	s4 =	simm.s32 $_scs_section_size  }
0x9a: {  	s5 =	simm.s32 $_size__tile_overlayer_lowered;
	s6 =	simm.s32 $_tile_overlayer_lowered  }
0x9b: {  	s22 =	simm.s32 $0x1BFF;
	s21 =	sshll.u32 s6, $0x1;
	s3 =	sadd.s32 s4, s19  }
0x9c: {  	s7 =	simm.s32 $0x0;
	s20 =	sshll.u32 s5, $0x1;
	s5 =	sadd.s32 s21, s3  }
0x9d: {  	[timem:s7], [sflag:s22] =	dma.local [hbm:s5], s20  }
0x9e: {  	_ =	swait.ge [sflag:s22], s20  }
0x9f: {  	s4 =	ssub.s32 $0x0, s20;
	[sflag:s22] =	ssyncset.done $0x0  }
0xa0: {  	[sflag:s22] =	ssyncadd.s32 s4;
	_ =	sdelay $0x1  }
0xa1: {  	s23 =	simm.s32 $0x1B8B  }
0xa2: {  	_ =	swait.ge [sflag:s23], $0x1  }
0xa3: {  	[sflag:s23] =	ssyncset.done $0x0  }
0xa4: {  	s25 =	simm.s32 $0x1B8E;
	s24 =	sld [smem:$0x3FFE];
	[sflag:s23] =	ssyncadd.s32 $0xFFFFFFFF  }
0xa5: {  	s26 =	simm.s32 $execute0_lowered;
	[smem:$0x3FD2] =	sst s25  }
0xa6: {  	s5 =	sshll.u32 s26, $0x1;
	_ =	strace $0x80000046;
	[dreg:$0x1] =	wrdreg $0xFFFFFFFF  }
0xa7: {  	s28 =	simm.s32 $_size_execute0_lowered;
	s3 =	sadd.s32 s3, s5;
	[dreg:$0x0] =	wrdreg $0x0  }
0xa8: {  	s5 =	sshll.u32 s28, $0x1;
	[dreg:$0x2] =	wrdreg s3  }
0xa9: {  	[dreg:$0x3] =	wrdreg s5  }
0xaa: {  	[dreg:$0x4] =	wrdreg $0xC0  }
0xab: {  	_ =	task [dreg:s7], $0x5FFFF  }
0xac: {  	[dreg:$0x1] =	wrdreg $0xFFFFFFFF  }
0xad: {  	[dreg:$0x0] =	wrdreg $0x60  }
0xae: {  	[dreg:$0x2] =	wrdreg s24  }
0xaf: {  	[dreg:$0x3] =	wrdreg s2  }
0xb0: {  	[dreg:$0x4] =	wrdreg $0x9  }
0xb1: {  	_ =	task.clear_ibuf [dreg:s7], $0x5FFFF;
	_ =	strace $0x90000046  }
0xb2: {  	s29 =	simm.s32 $0x9;
	_ =	strace $0x80000048  }
0xb3: {  	_ =	swait.ge [sflag:s29], $0x1  }
0xb4: {  	[sflag:s29] =	ssyncadd.s32 $0xFFFFFFFF  }
0xb5: {  	_ =	strace $0x90000048  }
0xb6: {  	_ =	sfence  }
0xb7: {  	s30 =	sld [smem:$0x0];
	_ =	sdelay $0x2  }
0xb8: {  	s31 =	sshll.u32 s1, $0xD;
	s1 =	sshrl.u32 s1, $0x2  }
0xb9: {  	s3 =	sand.u32 $0x4000, s31;
	s1 =	sadd.s32 s1, s30  }
0xba: {  	s0 =	sor.u32 s3, s0;
	s1 =	sshll.u32 s1, $0x11  }
0xbb: {  	s0 =	sor.u32 s1, s0  }
0xbc: {  	s0 =	sadd.s32 $0x8F2B, s0  }
0xbd: {  	[sflag:s0] =	ssyncadd.remote.s32 $0x1  }
0xbe: {  	_ =	sfence.sel $0xFFFF  }
0xbf: {  	[dreg:$0x0] =	wrdreg $0xFFFFFFFF;
	(pc) =	sbr.abs _section_cstart, $3  }
0xc0: {  	[dreg:$0x1] =	wrdreg $0xFFFFFFFF  }
0xc1: {  	_ =	task.clear_ibuf [dreg:s7], $0x2FFFF;
	_ =	strace $0x9FFFFFFF  }
0xc2: {  	(tm) =	ssettm $0x7FFFFFFF  }
0xc3: {  	_ =	shalt  }
tec
execute0_lowered:
.L_overlay_start_1:
0x0: {  	(tag) =	ssettag $0x1  }
0x1: {  	s0 =	rddreg [dreg:$0x0]  }
0x2: {  	s1 =	rddreg [dreg:$0x1]  }
0x3: {  	s2 =	simm.s32 $0x0;
	s3 =	srdreg.scid;
	s4 =	stileid.u32  }
0x4: {  	[smem:$0x7FF] =	sst s2;
	s8 =	sand.u32 $0x1, s3;
	s5 =	sadd.s32 $0xF42E00, s0  }
0x5: {  	s25 =	sadd.s32 $0xF42F80, s0;
	_ =	strace $0x80000047;
	[dreg:$0x7] =	wrdreg s5  }
0x6: {  	s4 =	sshll.u32 s4, $0x1;
	s26 =	sadd.s32 $0xF43100, s0;
	[dreg:$0x8] =	wrdreg s25  }
0x7: {  	s3 =	sadd.s32 $0x400, s0;
	s28 =	sadd.s32 $0xF43280, s0;
	[dreg:$0x9] =	wrdreg s26  }
0x8: {  	s9 =	sadd.s32 $0xF42980, s0;
	s29 =	sadd.s32 $0xF43400, s0;
	[dreg:$0xa] =	wrdreg s28  }
0x9: {  	s10 =	sadd.s32 $0xF42B00, s0;
	s30 =	sadd.s32 $0xF43580, s0;
	[dreg:$0xb] =	wrdreg s29  }
0xa: {  	s6 =	sor.u32 s8, s4;
	s4 =	sadd.s32 $0xF42800, s0;
	[dreg:$0xd] =	wrdreg s30  }
0xb: {  	s12 =	ssub.s32 $0x2, s8;
	s8 =	sadd.s32 $0xF42C80, s0;
	[dreg:$0x4] =	wrdreg s9  }
0xc: {  	s0 =	sadd.s32 $0xF43700, s0;
	[dreg:$0x5] =	wrdreg s10;
	s11 =	smul.u32 $0x500, s6  }
.Ltmp0:
0xd: {  	[dreg:$0xe] =	wrdreg s0;
	(pc) =	sbr.rel .LBB2_1-.Ltmp0, $4  }
0xe: {  	s7 =	sshll.u32 s6, $0x9;
	s13 =	sshrl.u32 s12, $0x1;
	[dreg:$0x6] =	wrdreg s8  }
0xf: {  	s12 =	ssub.s32 s12, s13;
	[dreg:$0x3] =	wrdreg s7;
	s1 =	sadd.s32 s1, s11  }
0x10: {  	s31 =	smax.u32 s12, $0x1;
	[dreg:$0xc] =	wrdreg s1  }
0x11: {  	s5 =	simm.s32 $0x0;
	[dreg:$0xf] =	wrdreg s31  }
.LBB2_11:
0x12: {  	s0 =	simm.s32 $0x3  }
0x13: {  	_ =	swait.ge [sflag:s0], $0xA000  }
0x14: {  	[sflag:s0] =	ssyncset.done $0x0  }
0x15: {  	s1 =	simm.s32 $0x4;
	[sflag:s0] =	ssyncadd.s32 $0xFFFF6000  }
0x16: {  	_ =	swait.ge [sflag:s1], $0xA000  }
0x17: {  	s5 =	rddreg [dreg:$0x10]  }
0x18: {  	s31 =	rddreg [dreg:$0xf];
	s5 =	sadd.s32 $0x1, s5  }
0x19: {  	p0 =	sne.s32 s5, s31  }
.Ltmp1:
0x1a: {  	_ = 	snop;
	(pc) =	sbr.rel @!p0 .LBB2_12-.Ltmp1, $3  }
0x1b: {  	_ =	sdelay $0x1  }
0x1c: {  	[sflag:s1] =	ssyncset.done $0x0  }
0x1d: {  	[sflag:s1] =	ssyncadd.s32 $0xFFFF6000  }
.LBB2_1:
0x1e: {  	[dreg:$0x10] =	wrdreg s5  }
0x1f: {  	s0 =	rddreg [dreg:$0xc];
	s31 =	simm.s32 $0x5  }
0x20: {  	[tilespmem:s2], [sflag:$0x5] =	stream.linear.gather [hbm4b:s0+s2], $0x2800, $0x38;
	[tilespmem:$0x16800] =	vst v63  }
0x21: {  	_ =	swait.ge [sflag:s31], $0x2800  }
0x22: {  	[sflag:s31] =	ssyncset.done $0x0  }
0x23: {  	[sflag:s31] =	ssyncadd.s32 $0xFFFFD800  }
0x24: {  	v0 =	vld [tilespmem:s2+$0x0];
	_ =	sdelay $0x4  }
0x25: {  	v0 =	vshll.u32 v0, $0x4  }
0x26: {  	(v2sf) =	vpush v0, $0x0  }
0x27: {  	(v2sf) =	vpush v0, $0x1  }
0x28: {  	(v2sf) =	vpush v0, $0x2;
	_ =	sdelay $0x1  }
0x29: {  	(v2sf) =	vpush v0, $0x4;
	_ =	sdelay $0x1  }
0x2a: {  	(v2sf) =	vpush v0, $0x3  }
0x2b: {  	(v2sf) =	vpush v0, $0x5  }
0x2c: {  	s24 =	simm.s32 $0x0;
	s1 =	simm.s32 $0x0;
	s0 =	simm.s32 $0x2000;
	(v2sf) =	vpush v0, $0x6  }
.LBB2_2:
0x2d: {  	p0 =	sne.s32 s0, $0x26000  }
0x2e: {  	s13 =	sadd.s32 $0x2880, s24;
	s18 =	sadd.s32 $0x2D80, s24;
	s25 =	smov.u32 s0  }
0x2f: {  	s0 =	sadd.s32 $0x2000, s0;
	s26 =	sadd.s32 $0x2B80, s24;
	s14 =	sadd.s32 $0x2E00, s24;
	(v2sf) =	vpush v0, $0x7  }
0x30: {  	s12 =	sadd.s32 $0x2A80, s24;
	s21 =	sadd.s32 $0x2C00, s24;
	s17 =	sadd.s32 $0x2E80, s24  }
0x31: {  	s15 =	sadd.s32 $0x2800, s24;
	s28 =	sadd.s32 $0x2A00, s24;
	(v2sf) =	vpush v0, $0x8  }
0x32: {  	s23 =	simm.s32 $0x0;
	s29 =	sadd.s32 $0x2B00, s24;
	s1 =	sadd.s32 $0x10, s1  }
0x33: {  	s30 =	sadd.s32 $0x2900, s24;
	s22 =	sadd.s32 $0x2D00, s24;
	s11 =	spop (v2sf);
	(v2sf) =	vpush v0, $0x9  }
0x34: {  	s31 =	sand.u32 $0x1FFFFFF0, s11;
	s11 =	sadd.s32 $0x2C80, s24;
	s16 =	spop (v2sf)  }
0x35: {  	s31 =	sadd.s32 s3, s31;
	s16 =	sand.u32 $0x1FFFFFF0, s16;
	s19 =	spop (v2sf);
	(v2sf) =	vpush v0, $0xA  }
0x36: {  	[tilespmem:s15], [sflag:$0x1] =	stream.linear.gather [hbm4b:s31+s23], $0x80, $0x38;
	[tilespmem:$0x16800] =	vst v63  }
0x37: {  	s15 =	sadd.s32 s3, s16;
	s16 =	sadd.s32 $0x2980, s24;
	s31 =	spop (v2sf);
	(v2sf) =	vpush v0, $0xB  }
0x38: {  	[tilespmem:s13], [sflag:$0x1] =	stream.linear.gather [hbm4b:s15+s23], $0x80, $0x38;
	[tilespmem:$0x16800] =	vst v63  }
0x39: {  	s13 =	sand.u32 $0x1FFFFFF0, s19;
	s15 =	sand.u32 $0x1FFFFFF0, s31;
	s19 =	spop (v2sf);
	(v2sf) =	vpush v0, $0xC  }
0x3a: {  	s13 =	sadd.s32 s3, s13;
	s19 =	sand.u32 $0x1FFFFFF0, s19;
	s31 =	spop (v2sf)  }
0x3b: {  	[tilespmem:s30], [sflag:$0x1] =	stream.linear.gather [hbm4b:s13+s23], $0x80, $0x38;
	(v2sf) =	vpush v0, $0xD;
	[tilespmem:$0x16800] =	vst v63  }
0x3c: {  	s13 =	sadd.s32 s3, s19;
	s19 =	sand.u32 $0x1FFFFFF0, s31;
	s30 =	spop (v2sf)  }
0x3d: {  	[tilespmem:s16], [sflag:$0x1] =	stream.linear.gather [hbm4b:s13+s23], $0x80, $0x38;
	(v2sf) =	vpush v0, $0xE;
	[tilespmem:$0x16800] =	vst v63  }
0x3e: {  	s13 =	sadd.s32 s3, s15;
	s15 =	sand.u32 $0x1FFFFFF0, s30;
	s16 =	spop (v2sf)  }
0x3f: {  	[tilespmem:s28], [sflag:$0x1] =	stream.linear.gather [hbm4b:s13+s23], $0x80, $0x38;
	(v2sf) =	vpush v0, $0xF;
	[tilespmem:$0x16800] =	vst v63  }
0x40: {  	s13 =	sadd.s32 s3, s19;
	s16 =	sand.u32 $0x1FFFFFF0, s16;
	s19 =	spop (v2sf)  }
0x41: {  	[tilespmem:s12], [sflag:$0x1] =	stream.linear.gather [hbm4b:s13+s23], $0x80, $0x38;
	[tilespmem:$0x16800] =	vst v63  }
0x42: {  	s12 =	sadd.s32 s3, s15;
	s13 =	sand.u32 $0x1FFFFFF0, s19;
	s15 =	spop (v2sf)  }
0x43: {  	[tilespmem:s29], [sflag:$0x1] =	stream.linear.gather [hbm4b:s12+s23], $0x80, $0x38;
	[tilespmem:$0x16800] =	vst v63  }
0x44: {  	s12 =	sadd.s32 s3, s16;
	s15 =	sand.u32 $0x1FFFFFF0, s15;
	s16 =	spop (v2sf)  }
0x45: {  	[tilespmem:s26], [sflag:$0x1] =	stream.linear.gather [hbm4b:s12+s23], $0x80, $0x38;
	[tilespmem:$0x16800] =	vst v63  }
0x46: {  	s12 =	sadd.s32 s3, s13;
	s13 =	sand.u32 $0x1FFFFFF0, s16;
	s16 =	spop (v2sf)  }
0x47: {  	[tilespmem:s21], [sflag:$0x1] =	stream.linear.gather [hbm4b:s12+s23], $0x80, $0x38;
	[tilespmem:$0x16800] =	vst v63  }
0x48: {  	s12 =	sadd.s32 s3, s15;
	s15 =	sand.u32 $0x1FFFFFF0, s16;
	s16 =	spop (v2sf)  }
0x49: {  	[tilespmem:s11], [sflag:$0x1] =	stream.linear.gather [hbm4b:s12+s23], $0x80, $0x38;
	[tilespmem:$0x16800] =	vst v63  }
0x4a: {  	s11 =	sadd.s32 s3, s13;
	s12 =	sand.u32 $0x1FFFFFF0, s16;
	s13 =	spop (v2sf)  }
0x4b: {  	[tilespmem:s22], [sflag:$0x1] =	stream.linear.gather [hbm4b:s11+s23], $0x80, $0x38;
	[tilespmem:$0x16800] =	vst v63  }
0x4c: {  	s11 =	sadd.s32 s3, s15;
	s13 =	sand.u32 $0x1FFFFFF0, s13;
	s15 =	spop (v2sf)  }
0x4d: {  	[tilespmem:s18], [sflag:$0x1] =	stream.linear.gather [hbm4b:s11+s23], $0x80, $0x38;
	[tilespmem:$0x16800] =	vst v63  }
0x4e: {  	s11 =	sadd.s32 s3, s12;
	s12 =	sand.u32 $0x1FFFFFF0, s15;
	s15 =	spop (v2sf)  }
0x4f: {  	[tilespmem:s14], [sflag:$0x1] =	stream.linear.gather [hbm4b:s11+s23], $0x80, $0x38;
	[tilespmem:$0x16800] =	vst v63  }
0x50: {  	s11 =	sadd.s32 s3, s13;
	s13 =	sand.u32 $0x1FFFFFF0, s15  }
0x51: {  	[tilespmem:s17], [sflag:$0x1] =	stream.linear.gather [hbm4b:s11+s23], $0x80, $0x38;
	[tilespmem:$0x16800] =	vst v63  }
0x52: {  	s12 =	sadd.s32 s3, s12;
	s11 =	sadd.s32 $0x2F00, s24  }
0x53: {  	[tilespmem:s11], [sflag:$0x1] =	stream.linear.gather [hbm4b:s12+s23], $0x80, $0x38;
	[tilespmem:$0x16800] =	vst v63  }
0x54: {  	s11 =	sadd.s32 $0x2F80, s24;
	s12 =	sadd.s32 s3, s13  }
0x55: {  	[tilespmem:s11], [sflag:$0x1] =	stream.linear.gather [hbm4b:s12+s23], $0x80, $0x38;
	[tilespmem:$0x16800] =	vst v63  }
0x56: {  	v0 =	vld [tilespmem:s1+$0x0];
	_ =	sdelay $0x4  }
0x57: {  	v0 =	vshll.u32 v0, $0x4  }
0x58: {  	(v2sf) =	vpush v0, $0x0  }
0x59: {  	(v2sf) =	vpush v0, $0x1  }
0x5a: {  	(v2sf) =	vpush v0, $0x2;
	_ =	sdelay $0x1  }
0x5b: {  	(v2sf) =	vpush v0, $0x4  }
.Ltmp2:
0x5c: {  	(pc) =	sbr.rel @p0 .LBB2_2-.Ltmp2, $3  }
0x5d: {  	(v2sf) =	vpush v0, $0x3  }
0x5e: {  	(v2sf) =	vpush v0, $0x5;
	_ =	sdelay $0x1  }
0x5f: {  	s24 =	sshra.s32 s25, $0x2;
	(v2sf) =	vpush v0, $0x6  }
0x60: {  	_ =	sdelay $0x1  }
0x61: {  	s12 =	sadd.s32 $0x2880, s24  }
0x62: {  	s11 =	sadd.s32 $0x2D80, s24;
	s13 =	sadd.s32 $0x2B80, s24;
	s0 =	sadd.s32 $0x2E00, s24;
	(v2sf) =	vpush v0, $0x7  }
0x63: {  	s14 =	sadd.s32 $0x2A80, s24;
	s15 =	sadd.s32 $0x2C00, s24;
	s16 =	sadd.s32 $0x2800, s24  }
0x64: {  	s17 =	sadd.s32 $0x2A00, s24;
	s18 =	sadd.s32 $0x2B00, s24;
	(v2sf) =	vpush v0, $0x8;
	s19 =	spop (v2sf)  }
0x65: {  	s21 =	sadd.s32 $0x2900, s24;
	s19 =	sand.u32 $0x1FFFFFF0, s19;
	s22 =	spop (v2sf)  }
0x66: {  	(v2sf) =	vpush v0, $0x9;
	s19 =	sadd.s32 s3, s19;
	s22 =	sand.u32 $0x1FFFFFF0, s22;
	s25 =	spop (v2sf)  }
0x67: {  	[tilespmem:s16], [sflag:$0x1] =	stream.linear.gather [hbm4b:s19+s23], $0x80, $0x38;
	[tilespmem:$0x16800] =	vst v63  }
0x68: {  	(v2sf) =	vpush v0, $0xA;
	s26 =	sadd.s32 s3, s22;
	s29 =	sand.u32 $0x1FFFFFF0, s25;
	s28 =	spop (v2sf)  }
0x69: {  	[tilespmem:s12], [sflag:$0x1] =	stream.linear.gather [hbm4b:s26+s23], $0x80, $0x38;
	[tilespmem:$0x16800] =	vst v63  }
0x6a: {  	s16 =	sadd.s32 $0x2D00, s24;
	(v2sf) =	vpush v0, $0xB;
	s19 =	sadd.s32 s3, s29;
	s30 =	spop (v2sf)  }
0x6b: {  	s12 =	sadd.s32 $0x2C80, s24;
	s26 =	sadd.s32 $0x2980, s24;
	s25 =	sand.u32 $0x1FFFFFF0, s30  }
0x6c: {  	(v2sf) =	vpush v0, $0xC;
	[tilespmem:s21], [sflag:$0x1] =	stream.linear.gather [hbm4b:s19+s23], $0x80, $0x38;
	[tilespmem:$0x16800] =	vst v63  }
0x6d: {  	s31 =	sand.u32 $0x1FFFFFF0, s28;
	s5 =	spop (v2sf);
	s6 =	sadd.s32 s3, s25  }
0x6e: {  	(v2sf) =	vpush v0, $0xD;
	[tilespmem:s26], [sflag:$0x1] =	stream.linear.gather [hbm4b:s6+s23], $0x80, $0x38;
	[tilespmem:$0x16800] =	vst v63  }
0x6f: {  	s19 =	sadd.s32 s3, s31;
	s21 =	sand.u32 $0x1FFFFFF0, s5;
	s20 =	spop (v2sf)  }
0x70: {  	[tilespmem:s17], [sflag:$0x1] =	stream.linear.gather [hbm4b:s19+s23], $0x80, $0x38;
	[tilespmem:$0x16800] =	vst v63  }
0x71: {  	s21 =	sadd.s32 s3, s21;
	s25 =	sand.u32 $0x1FFFFFF0, s20;
	s26 =	spop (v2sf)  }
0x72: {  	(v2sf) =	vpush v0, $0xE;
	[tilespmem:s14], [sflag:$0x1] =	stream.linear.gather [hbm4b:s21+s23], $0x80, $0x38;
	[tilespmem:$0x16800] =	vst v63  }
0x73: {  	s28 =	sand.u32 $0x1FFFFFF0, s26;
	s29 =	spop (v2sf);
	s17 =	sadd.s32 s3, s25  }
0x74: {  	(v2sf) =	vpush v0, $0xF;
	[tilespmem:s18], [sflag:$0x1] =	stream.linear.gather [hbm4b:s17+s23], $0x80, $0x38;
	[tilespmem:$0x16800] =	vst v63  }
0x75: {  	s30 =	sand.u32 $0x1FFFFFF0, s29;
	s14 =	sadd.s32 s3, s28;
	s31 =	spop (v2sf)  }
0x76: {  	[tilespmem:s13], [sflag:$0x1] =	stream.linear.gather [hbm4b:s14+s23], $0x80, $0x38;
	[tilespmem:$0x16800] =	vst v63  }
0x77: {  	s17 =	sadd.s32 s3, s30;
	s5 =	sand.u32 $0x1FFFFFF0, s31;
	s6 =	spop (v2sf)  }
0x78: {  	[tilespmem:s15], [sflag:$0x1] =	stream.linear.gather [hbm4b:s17+s23], $0x80, $0x38;
	[tilespmem:$0x16800] =	vst v63  }
0x79: {  	s14 =	sand.u32 $0x1FFFFFF0, s6;
	s13 =	sadd.s32 s3, s5;
	s18 =	spop (v2sf)  }
0x7a: {  	[tilespmem:s12], [sflag:$0x1] =	stream.linear.gather [hbm4b:s13+s23], $0x80, $0x38;
	[tilespmem:$0x16800] =	vst v63  }
0x7b: {  	s14 =	sadd.s32 s3, s14;
	s19 =	sand.u32 $0x1FFFFFF0, s18;
	s20 =	spop (v2sf)  }
0x7c: {  	[tilespmem:s16], [sflag:$0x1] =	stream.linear.gather [hbm4b:s14+s23], $0x80, $0x38;
	[tilespmem:$0x16800] =	vst v63  }
0x7d: {  	s12 =	sadd.s32 s3, s19;
	s13 =	sand.u32 $0x1FFFFFF0, s20;
	s21 =	spop (v2sf)  }
0x7e: {  	[tilespmem:s11], [sflag:$0x1] =	stream.linear.gather [hbm4b:s12+s23], $0x80, $0x38;
	[tilespmem:$0x16800] =	vst v63  }
0x7f: {  	s1 =	sadd.s32 $0x2E80, s24;
	s22 =	sand.u32 $0x1FFFFFF0, s21;
	s13 =	sadd.s32 s3, s13  }
0x80: {  	[tilespmem:s0], [sflag:$0x1] =	stream.linear.gather [hbm4b:s13+s23], $0x80, $0x38;
	[tilespmem:$0x16800] =	vst v63  }
0x81: {  	s30 =	sadd.s32 $0x2F00, s24;
	s25 =	spop (v2sf);
	s11 =	sadd.s32 s3, s22  }
0x82: {  	[tilespmem:s1], [sflag:$0x1] =	stream.linear.gather [hbm4b:s11+s23], $0x80, $0x38;
	[tilespmem:$0x16800] =	vst v63  }
.Ltmp3:
0x83: {  	s26 =	sand.u32 $0x1FFFFFF0, s25;
	s28 =	spop (v2sf);
	(pc) =	sbr.rel .LBB2_4-.Ltmp3, $4  }
0x84: {  	s31 =	sadd.s32 $0x2F80, s24;
	s29 =	sand.u32 $0x1FFFFFF0, s28;
	s0 =	sadd.s32 s3, s26  }
0x85: {  	[tilespmem:s30], [sflag:$0x1] =	stream.linear.gather [hbm4b:s0+s23], $0x80, $0x38;
	[tilespmem:$0x16800] =	vst v63  }
0x86: {  	s24 =	simm.s32 $0x140;
	s25 =	simm.s32 $0x280;
	s1 =	sadd.s32 s3, s29  }
0x87: {  	[tilespmem:s31], [sflag:$0x1] =	stream.linear.gather [hbm4b:s1+s23], $0x80, $0x38;
	[tilespmem:$0x16800] =	vst v63  }
.LBB2_10:
0x88: {  	s0 =	sshll.u32 s26, $0x4  }
0x89: {  	s5 =	simm.s32 $0x2;
	s0 =	sadd.s32 s7, s0  }
0x8a: {  	_ =	swait.ge [sflag:s5], $0xA000;
	s1 =	smul.u32 $0x180, s0  }
0x8b: {  	[sflag:s5] =	ssyncset.done $0x0  }
0x8c: {  	s6 =	simm.s32 $0xC800;
	[sflag:s5] =	ssyncadd.s32 $0xFFFF6000;
	s17 =	sadd.s32 s4, s1  }
0x8d: {  	[hbm4b:s17+s2] =	stream.linear.scatter [tilespmem:s6], [sflag:$0x4], $0xA00, $0x38;
	[tilespmem:$0x16800] =	vst v63  }
0x8e: {  	s19 =	simm.s32 $0xD200;
	s21 =	simm.s32 $0xDC00;
	s18 =	sadd.s32 s1, s9  }
0x8f: {  	[hbm4b:s18+s2] =	stream.linear.scatter [tilespmem:s19], [sflag:$0x4], $0xA00, $0x38;
	[tilespmem:$0x16800] =	vst v63  }
0x90: {  	s26 =	simm.s32 $0xE600;
	s29 =	simm.s32 $0xF000;
	s20 =	sadd.s32 s1, s10  }
0x91: {  	[hbm4b:s20+s2] =	stream.linear.scatter [tilespmem:s21], [sflag:$0x4], $0xA00, $0x38;
	[tilespmem:$0x16800] =	vst v63  }
0x92: {  	s28 =	rddreg [dreg:$0x7];
	s0 =	smul.u32 $0xC00, s0;
	s22 =	sadd.s32 s1, s8  }
0x93: {  	[hbm4b:s22+s2] =	stream.linear.scatter [tilespmem:s26], [sflag:$0x4], $0xA00, $0x38;
	[tilespmem:$0x16800] =	vst v63  }
0x94: {  	s30 =	rddreg [dreg:$0x8];
	s5 =	sadd.s32 s1, s28;
	s0 =	sshrl.u32 s0, $0x3  }
0x95: {  	[hbm4b:s5+s2] =	stream.linear.scatter [tilespmem:s29], [sflag:$0x4], $0xA00, $0x38;
	[tilespmem:$0x16800] =	vst v63  }
0x96: {  	s31 =	simm.s32 $0xFA00;
	s1 =	sadd.s32 s1, s30;
	s0 =	sadd.s32 s4, s0  }
0x97: {  	[hbm4b:s1+s2] =	stream.linear.scatter [tilespmem:s31], [sflag:$0x4], $0xA00, $0x38;
	[tilespmem:$0x16800] =	vst v63  }
0x98: {  	s6 =	simm.s32 $0x10400;
	s5 =	sadd.s32 $0x900, s0  }
0x99: {  	[hbm4b:s5+s2] =	stream.linear.scatter [tilespmem:s6], [sflag:$0x4], $0xA00, $0x38;
	[tilespmem:$0x16800] =	vst v63  }
0x9a: {  	s12 =	simm.s32 $0x10E00;
	s11 =	sadd.s32 $0xA80, s0  }
0x9b: {  	[hbm4b:s11+s2] =	stream.linear.scatter [tilespmem:s12], [sflag:$0x4], $0xA00, $0x38;
	[tilespmem:$0x16800] =	vst v63  }
0x9c: {  	s14 =	simm.s32 $0x11800;
	s13 =	sadd.s32 $0xC00, s0  }
0x9d: {  	[hbm4b:s13+s2] =	stream.linear.scatter [tilespmem:s14], [sflag:$0x4], $0xA00, $0x38;
	[tilespmem:$0x16800] =	vst v63  }
0x9e: {  	s16 =	simm.s32 $0x12200;
	s15 =	sadd.s32 $0xD80, s0  }
0x9f: {  	[hbm4b:s15+s2] =	stream.linear.scatter [tilespmem:s16], [sflag:$0x4], $0xA00, $0x38;
	[tilespmem:$0x16800] =	vst v63  }
0xa0: {  	s17 =	sadd.s32 $0xF00, s0;
	s18 =	simm.s32 $0x12C00  }
0xa1: {  	[hbm4b:s17+s2] =	stream.linear.scatter [tilespmem:s18], [sflag:$0x4], $0xA00, $0x38;
	[tilespmem:$0x16800] =	vst v63  }
0xa2: {  	s19 =	sadd.s32 $0x1080, s0;
	s20 =	simm.s32 $0x13600  }
0xa3: {  	[hbm4b:s19+s2] =	stream.linear.scatter [tilespmem:s20], [sflag:$0x4], $0xA00, $0x38;
	[tilespmem:$0x16800] =	vst v63  }
0xa4: {  	s23 =	sadd.s32 $0x1, s23;
	s21 =	sadd.s32 $0x1200, s0;
	s22 =	simm.s32 $0x14000  }
0xa5: {  	[hbm4b:s21+s2] =	stream.linear.scatter [tilespmem:s22], [sflag:$0x4], $0xA00, $0x38;
	[tilespmem:$0x16800] =	vst v63  }
0xa6: {  	p0 =	sne.s32 s23, $0x10;
	s28 =	simm.s32 $0x14A00;
	s26 =	sadd.s32 $0x1380, s0  }
0xa7: {  	[hbm4b:s26+s2] =	stream.linear.scatter [tilespmem:s28], [sflag:$0x4], $0xA00, $0x38;
	[tilespmem:$0x16800] =	vst v63  }
.Ltmp4:
0xa8: {  	_ = 	snop;
	(pc) =	sbr.rel @!p0 .LBB2_11-.Ltmp4, $4  }
0xa9: {  	s24 =	sadd.s32 $0x280, s24;
	s30 =	simm.s32 $0x15400;
	s29 =	sadd.s32 $0x1500, s0  }
0xaa: {  	[hbm4b:s29+s2] =	stream.linear.scatter [tilespmem:s30], [sflag:$0x4], $0xA00, $0x38;
	[tilespmem:$0x16800] =	vst v63  }
0xab: {  	s25 =	sadd.s32 $0x280, s25;
	s0 =	sadd.s32 $0x1680, s0;
	s31 =	simm.s32 $0x15E00  }
0xac: {  	[hbm4b:s0+s2] =	stream.linear.scatter [tilespmem:s31], [sflag:$0x4], $0xA00, $0x38;
	[tilespmem:$0x16800] =	vst v63  }
.LBB2_4:
0xad: {  	p0 =	seq.s32 s23, $0x0  }
0xae: {  	s0 =	simm.s32 @!p0 $0x4  }
0xaf: {  	_ =	swait.ge @!p0 [sflag:s0], $0xA000  }
0xb0: {  	[sflag:s0] =	ssyncset.done @!p0 $0x0  }
0xb1: {  	[sflag:s0] =	ssyncadd.s32 @!p0 $0xFFFF6000  }
0xb2: {  	v0 =	vld [tilespmem:s24+$0x0];
	_ =	sdelay $0x4  }
0xb3: {  	v0 =	vshll.u32 v0, $0x4  }
0xb4: {  	(v2sf) =	vpush v0, $0x0  }
0xb5: {  	(v2sf) =	vpush v0, $0x1  }
0xb6: {  	(v2sf) =	vpush v0, $0x2;
	_ =	sdelay $0x1  }
0xb7: {  	(v2sf) =	vpush v0, $0x4;
	_ =	sdelay $0x1  }
0xb8: {  	(v2sf) =	vpush v0, $0x3  }
0xb9: {  	s26 =	sshllo.u32 s23, $0x1;
	(v2sf) =	vpush v0, $0x5  }
0xba: {  	s28 =	simm.s32 $0x0;
	s1 =	smov.u32 s24;
	s0 =	simm.s32 $0x2000;
	(v2sf) =	vpush v0, $0x6  }
.LBB2_5:
0xbb: {  	p0 =	sne.s32 s0, $0x26000  }
0xbc: {  	s13 =	sadd.s32 $0xC880, s28;
	s18 =	sadd.s32 $0xCD80, s28;
	s29 =	smov.u32 s0  }
0xbd: {  	s0 =	sadd.s32 $0x2000, s0;
	s30 =	sadd.s32 $0xCB80, s28;
	s14 =	sadd.s32 $0xCE00, s28;
	(v2sf) =	vpush v0, $0x7  }
0xbe: {  	s12 =	sadd.s32 $0xCA80, s28;
	s22 =	sadd.s32 $0xCC00, s28;
	s17 =	sadd.s32 $0xCE80, s28  }
0xbf: {  	s15 =	sadd.s32 $0xC800, s28;
	s16 =	sadd.s32 $0xCA00, s28;
	(v2sf) =	vpush v0, $0x8  }
0xc0: {  	s19 =	sadd.s32 $0xCB00, s28;
	s1 =	sadd.s32 $0x10, s1  }
0xc1: {  	s31 =	sadd.s32 $0xC900, s28;
	s21 =	sadd.s32 $0xCD00, s28;
	s11 =	spop (v2sf);
	(v2sf) =	vpush v0, $0x9  }
0xc2: {  	s20 =	sand.u32 $0x1FFFFFF0, s11;
	s11 =	sadd.s32 $0xCC80, s28;
	s5 =	spop (v2sf)  }
0xc3: {  	s20 =	sadd.s32 s3, s20;
	s5 =	sand.u32 $0x1FFFFFF0, s5;
	s6 =	spop (v2sf);
	(v2sf) =	vpush v0, $0xA  }
0xc4: {  	[tilespmem:s15], [sflag:$0x2] =	stream.linear.gather [hbm4b:s20+s2], $0x80, $0x38;
	[tilespmem:$0x16800] =	vst v63  }
0xc5: {  	s5 =	sadd.s32 s3, s5;
	s15 =	sadd.s32 $0xC980, s28;
	s20 =	spop (v2sf);
	(v2sf) =	vpush v0, $0xB  }
0xc6: {  	[tilespmem:s13], [sflag:$0x2] =	stream.linear.gather [hbm4b:s5+s2], $0x80, $0x38;
	[tilespmem:$0x16800] =	vst v63  }
0xc7: {  	s5 =	sand.u32 $0x1FFFFFF0, s6;
	s6 =	sand.u32 $0x1FFFFFF0, s20;
	s13 =	spop (v2sf);
	(v2sf) =	vpush v0, $0xC  }
0xc8: {  	s5 =	sadd.s32 s3, s5;
	s13 =	sand.u32 $0x1FFFFFF0, s13;
	s20 =	spop (v2sf)  }
0xc9: {  	[tilespmem:s31], [sflag:$0x2] =	stream.linear.gather [hbm4b:s5+s2], $0x80, $0x38;
	(v2sf) =	vpush v0, $0xD;
	[tilespmem:$0x16800] =	vst v63  }
0xca: {  	s5 =	sadd.s32 s3, s13;
	s13 =	sand.u32 $0x1FFFFFF0, s20;
	s20 =	spop (v2sf)  }
0xcb: {  	[tilespmem:s15], [sflag:$0x2] =	stream.linear.gather [hbm4b:s5+s2], $0x80, $0x38;
	(v2sf) =	vpush v0, $0xE;
	[tilespmem:$0x16800] =	vst v63  }
0xcc: {  	s5 =	sadd.s32 s3, s6;
	s6 =	sand.u32 $0x1FFFFFF0, s20;
	s15 =	spop (v2sf)  }
0xcd: {  	[tilespmem:s16], [sflag:$0x2] =	stream.linear.gather [hbm4b:s5+s2], $0x80, $0x38;
	(v2sf) =	vpush v0, $0xF;
	[tilespmem:$0x16800] =	vst v63  }
0xce: {  	s5 =	sadd.s32 s3, s13;
	s13 =	sand.u32 $0x1FFFFFF0, s15;
	s15 =	spop (v2sf)  }
0xcf: {  	[tilespmem:s12], [sflag:$0x2] =	stream.linear.gather [hbm4b:s5+s2], $0x80, $0x38;
	[tilespmem:$0x16800] =	vst v63  }
0xd0: {  	s5 =	sadd.s32 s3, s6;
	s6 =	sand.u32 $0x1FFFFFF0, s15;
	s12 =	spop (v2sf)  }
0xd1: {  	[tilespmem:s19], [sflag:$0x2] =	stream.linear.gather [hbm4b:s5+s2], $0x80, $0x38;
	[tilespmem:$0x16800] =	vst v63  }
0xd2: {  	s5 =	sadd.s32 s3, s13;
	s12 =	sand.u32 $0x1FFFFFF0, s12;
	s13 =	spop (v2sf)  }
0xd3: {  	[tilespmem:s30], [sflag:$0x2] =	stream.linear.gather [hbm4b:s5+s2], $0x80, $0x38;
	[tilespmem:$0x16800] =	vst v63  }
0xd4: {  	s5 =	sadd.s32 s3, s6;
	s6 =	sand.u32 $0x1FFFFFF0, s13;
	s13 =	spop (v2sf)  }
0xd5: {  	[tilespmem:s22], [sflag:$0x2] =	stream.linear.gather [hbm4b:s5+s2], $0x80, $0x38;
	[tilespmem:$0x16800] =	vst v63  }
0xd6: {  	s5 =	sadd.s32 s3, s12;
	s12 =	sand.u32 $0x1FFFFFF0, s13;
	s13 =	spop (v2sf)  }
0xd7: {  	[tilespmem:s11], [sflag:$0x2] =	stream.linear.gather [hbm4b:s5+s2], $0x80, $0x38;
	[tilespmem:$0x16800] =	vst v63  }
0xd8: {  	s5 =	sadd.s32 s3, s6;
	s6 =	sand.u32 $0x1FFFFFF0, s13;
	s11 =	spop (v2sf)  }
0xd9: {  	[tilespmem:s21], [sflag:$0x2] =	stream.linear.gather [hbm4b:s5+s2], $0x80, $0x38;
	[tilespmem:$0x16800] =	vst v63  }
0xda: {  	s5 =	sadd.s32 s3, s12;
	s11 =	sand.u32 $0x1FFFFFF0, s11;
	s12 =	spop (v2sf)  }
0xdb: {  	[tilespmem:s18], [sflag:$0x2] =	stream.linear.gather [hbm4b:s5+s2], $0x80, $0x38;
	[tilespmem:$0x16800] =	vst v63  }
0xdc: {  	s5 =	sadd.s32 s3, s6;
	s6 =	sand.u32 $0x1FFFFFF0, s12;
	s12 =	spop (v2sf)  }
0xdd: {  	[tilespmem:s14], [sflag:$0x2] =	stream.linear.gather [hbm4b:s5+s2], $0x80, $0x38;
	[tilespmem:$0x16800] =	vst v63  }
0xde: {  	s5 =	sadd.s32 s3, s11;
	s11 =	sand.u32 $0x1FFFFFF0, s12  }
0xdf: {  	[tilespmem:s17], [sflag:$0x2] =	stream.linear.gather [hbm4b:s5+s2], $0x80, $0x38;
	[tilespmem:$0x16800] =	vst v63  }
0xe0: {  	s6 =	sadd.s32 s3, s6;
	s5 =	sadd.s32 $0xCF00, s28  }
0xe1: {  	[tilespmem:s5], [sflag:$0x2] =	stream.linear.gather [hbm4b:s6+s2], $0x80, $0x38;
	[tilespmem:$0x16800] =	vst v63  }
0xe2: {  	s5 =	sadd.s32 $0xCF80, s28;
	s6 =	sadd.s32 s3, s11  }
0xe3: {  	[tilespmem:s5], [sflag:$0x2] =	stream.linear.gather [hbm4b:s6+s2], $0x80, $0x38;
	[tilespmem:$0x16800] =	vst v63  }
0xe4: {  	v0 =	vld [tilespmem:s1+$0x0];
	_ =	sdelay $0x4  }
0xe5: {  	v0 =	vshll.u32 v0, $0x4  }
0xe6: {  	(v2sf) =	vpush v0, $0x0  }
0xe7: {  	(v2sf) =	vpush v0, $0x1  }
0xe8: {  	(v2sf) =	vpush v0, $0x2;
	_ =	sdelay $0x1  }
0xe9: {  	(v2sf) =	vpush v0, $0x4  }
.Ltmp5:
0xea: {  	(pc) =	sbr.rel @p0 .LBB2_5-.Ltmp5, $3  }
0xeb: {  	(v2sf) =	vpush v0, $0x3  }
0xec: {  	(v2sf) =	vpush v0, $0x5;
	_ =	sdelay $0x1  }
0xed: {  	s28 =	sshra.s32 s29, $0x2;
	(v2sf) =	vpush v0, $0x6  }
0xee: {  	_ =	sdelay $0x5  }
0xef: {  	s0 =	spop (v2sf)  }
0xf0: {  	s1 =	spop (v2sf)  }
0xf1: {  	s18 =	spop (v2sf)  }
0xf2: {  	s21 =	spop (v2sf);
	(v2sf) =	vpush v0, $0x7  }
0xf3: {  	s0 =	sand.u32 $0x1FFFFFF0, s0  }
0xf4: {  	s5 =	sadd.s32 $0xC800, s28;
	s0 =	sadd.s32 s3, s0  }
0xf5: {  	[tilespmem:s5], [sflag:$0x2] =	stream.linear.gather [hbm4b:s0+s2], $0x80, $0x38;
	[tilespmem:$0x16800] =	vst v63  }
0xf6: {  	s1 =	sand.u32 $0x1FFFFFF0, s1;
	s22 =	spop (v2sf);
	(v2sf) =	vpush v0, $0x8  }
0xf7: {  	s17 =	sadd.s32 $0xC880, s28;
	s1 =	sadd.s32 s3, s1  }
0xf8: {  	[tilespmem:s17], [sflag:$0x2] =	stream.linear.gather [hbm4b:s1+s2], $0x80, $0x38;
	[tilespmem:$0x16800] =	vst v63  }
0xf9: {  	s19 =	sand.u32 $0x1FFFFFF0, s18;
	s1 =	spop (v2sf);
	(v2sf) =	vpush v0, $0x9  }
0xfa: {  	s20 =	sadd.s32 $0xC900, s28;
	s0 =	sadd.s32 s3, s19  }
0xfb: {  	[tilespmem:s20], [sflag:$0x2] =	stream.linear.gather [hbm4b:s0+s2], $0x80, $0x38;
	[tilespmem:$0x16800] =	vst v63  }
0xfc: {  	s0 =	sand.u32 $0x1FFFFFF0, s22;
	s6 =	spop (v2sf);
	(v2sf) =	vpush v0, $0xA  }
0xfd: {  	s29 =	sadd.s32 $0xC980, s28;
	s30 =	sand.u32 $0x1FFFFFF0, s21;
	s0 =	sadd.s32 s3, s0  }
0xfe: {  	[tilespmem:s29], [sflag:$0x2] =	stream.linear.gather [hbm4b:s0+s2], $0x80, $0x38;
	[tilespmem:$0x16800] =	vst v63  }
0xff: {  	s31 =	sadd.s32 $0xCA00, s28;
	s0 =	sadd.s32 s3, s30  }
0x100: {  	[tilespmem:s31], [sflag:$0x2] =	stream.linear.gather [hbm4b:s0+s2], $0x80, $0x38;
	[tilespmem:$0x16800] =	vst v63  }
0x101: {  	s0 =	sand.u32 $0x1FFFFFF0, s1;
	s12 =	spop (v2sf);
	(v2sf) =	vpush v0, $0xB  }
0x102: {  	s5 =	sadd.s32 $0xCA80, s28;
	s0 =	sadd.s32 s3, s0  }
0x103: {  	[tilespmem:s5], [sflag:$0x2] =	stream.linear.gather [hbm4b:s0+s2], $0x80, $0x38;
	[tilespmem:$0x16800] =	vst v63  }
0x104: {  	s0 =	sand.u32 $0x1FFFFFF0, s6  }
0x105: {  	s11 =	sadd.s32 $0xCB00, s28;
	s0 =	sadd.s32 s3, s0;
	s14 =	spop (v2sf);
	(v2sf) =	vpush v0, $0xC  }
0x106: {  	[tilespmem:s11], [sflag:$0x2] =	stream.linear.gather [hbm4b:s0+s2], $0x80, $0x38;
	[tilespmem:$0x16800] =	vst v63  }
0x107: {  	s0 =	sand.u32 $0x1FFFFFF0, s12  }
0x108: {  	s13 =	sadd.s32 $0xCB80, s28;
	s0 =	sadd.s32 s3, s0;
	s16 =	spop (v2sf);
	(v2sf) =	vpush v0, $0xD  }
0x109: {  	[tilespmem:s13], [sflag:$0x2] =	stream.linear.gather [hbm4b:s0+s2], $0x80, $0x38;
	[tilespmem:$0x16800] =	vst v63  }
0x10a: {  	s0 =	sand.u32 $0x1FFFFFF0, s14  }
0x10b: {  	s15 =	sadd.s32 $0xCC00, s28;
	s0 =	sadd.s32 s3, s0;
	s18 =	spop (v2sf);
	(v2sf) =	vpush v0, $0xE  }
0x10c: {  	[tilespmem:s15], [sflag:$0x2] =	stream.linear.gather [hbm4b:s0+s2], $0x80, $0x38;
	[tilespmem:$0x16800] =	vst v63  }
0x10d: {  	s0 =	sand.u32 $0x1FFFFFF0, s16  }
0x10e: {  	s17 =	sadd.s32 $0xCC80, s28;
	s0 =	sadd.s32 s3, s0  }
0x10f: {  	[tilespmem:s17], [sflag:$0x2] =	stream.linear.gather [hbm4b:s0+s2], $0x80, $0x38;
	[tilespmem:$0x16800] =	vst v63  }
0x110: {  	s0 =	sand.u32 $0x1FFFFFF0, s18;
	s20 =	spop (v2sf);
	(v2sf) =	vpush v0, $0xF  }
0x111: {  	s19 =	sadd.s32 $0xCD00, s28;
	s0 =	sadd.s32 s3, s0  }
0x112: {  	[tilespmem:s19], [sflag:$0x2] =	stream.linear.gather [hbm4b:s0+s2], $0x80, $0x38;
	[tilespmem:$0x16800] =	vst v63  }
0x113: {  	s0 =	sand.u32 $0x1FFFFFF0, s20  }
0x114: {  	s21 =	sadd.s32 $0xCD80, s28;
	s0 =	sadd.s32 s3, s0;
	s22 =	spop (v2sf)  }
0x115: {  	[tilespmem:s21], [sflag:$0x2] =	stream.linear.gather [hbm4b:s0+s2], $0x80, $0x38;
	[tilespmem:$0x16800] =	vst v63  }
0x116: {  	s0 =	sand.u32 $0x1FFFFFF0, s22  }
0x117: {  	s29 =	sadd.s32 $0xCE00, s28;
	s30 =	spop (v2sf);
	s0 =	sadd.s32 s3, s0  }
0x118: {  	[tilespmem:s29], [sflag:$0x2] =	stream.linear.gather [hbm4b:s0+s2], $0x80, $0x38;
	[tilespmem:$0x16800] =	vst v63  }
0x119: {  	s0 =	sand.u32 $0x1FFFFFF0, s30  }
0x11a: {  	s31 =	sadd.s32 $0xCE80, s28;
	s1 =	spop (v2sf);
	s0 =	sadd.s32 s3, s0  }
0x11b: {  	[tilespmem:s31], [sflag:$0x2] =	stream.linear.gather [hbm4b:s0+s2], $0x80, $0x38;
	[tilespmem:$0x16800] =	vst v63  }
0x11c: {  	s0 =	sand.u32 $0x1FFFFFF0, s1  }
0x11d: {  	s5 =	sadd.s32 $0xCF00, s28;
	s0 =	sadd.s32 s3, s0  }
0x11e: {  	[tilespmem:s5], [sflag:$0x2] =	stream.linear.gather [hbm4b:s0+s2], $0x80, $0x38;
	[tilespmem:$0x16800] =	vst v63  }
0x11f: {  	s6 =	spop (v2sf)  }
0x120: {  	s0 =	sand.u32 $0x1FFFFFF0, s6  }
0x121: {  	s11 =	sadd.s32 $0xCF80, s28;
	s12 =	sshll.u32 s23, $0x5;
	s0 =	sadd.s32 s3, s0  }
0x122: {  	[tilespmem:s11], [sflag:$0x2] =	stream.linear.gather [hbm4b:s0+s2], $0x80, $0x38;
	[tilespmem:$0x16800] =	vst v63  }
0x123: {  	s13 =	simm.s32 $0x1;
	s0 =	sadd.s32 s7, s12  }
0x124: {  	_ =	swait.ge [sflag:s13], $0xA000;
	s1 =	smul.u32 $0x180, s0  }
0x125: {  	[sflag:s13] =	ssyncset.done $0x0  }
0x126: {  	s6 =	simm.s32 $0x2800;
	[sflag:s13] =	ssyncadd.s32 $0xFFFF6000;
	s14 =	sadd.s32 s4, s1  }
0x127: {  	[hbm4b:s14+s2] =	stream.linear.scatter [tilespmem:s6], [sflag:$0x3], $0xA00, $0x38;
	[tilespmem:$0x16800] =	vst v63  }
0x128: {  	s16 =	simm.s32 $0x3200;
	s18 =	simm.s32 $0x3C00;
	s15 =	sadd.s32 s1, s9  }
0x129: {  	[hbm4b:s15+s2] =	stream.linear.scatter [tilespmem:s16], [sflag:$0x3], $0xA00, $0x38;
	[tilespmem:$0x16800] =	vst v63  }
0x12a: {  	s20 =	simm.s32 $0x4600;
	s22 =	simm.s32 $0x5000;
	s17 =	sadd.s32 s1, s10  }
0x12b: {  	[hbm4b:s17+s2] =	stream.linear.scatter [tilespmem:s18], [sflag:$0x3], $0xA00, $0x38;
	[tilespmem:$0x16800] =	vst v63  }
0x12c: {  	s29 =	simm.s32 $0x5A00;
	s21 =	rddreg [dreg:$0x7];
	s19 =	sadd.s32 s1, s8  }
0x12d: {  	[hbm4b:s19+s2] =	stream.linear.scatter [tilespmem:s20], [sflag:$0x3], $0xA00, $0x38;
	[tilespmem:$0x16800] =	vst v63  }
0x12e: {  	s31 =	simm.s32 $0x6400;
	s28 =	rddreg [dreg:$0x8];
	s5 =	sadd.s32 s1, s21  }
0x12f: {  	[hbm4b:s5+s2] =	stream.linear.scatter [tilespmem:s22], [sflag:$0x3], $0xA00, $0x38;
	[tilespmem:$0x16800] =	vst v63  }
0x130: {  	s11 =	simm.s32 $0x6E00;
	s30 =	rddreg [dreg:$0x9];
	s5 =	sadd.s32 s1, s28  }
0x131: {  	[hbm4b:s5+s2] =	stream.linear.scatter [tilespmem:s29], [sflag:$0x3], $0xA00, $0x38;
	[tilespmem:$0x16800] =	vst v63  }
0x132: {  	s0 =	smul.u32 $0xC00, s0;
	s6 =	rddreg [dreg:$0xa];
	s5 =	sadd.s32 s1, s30  }
0x133: {  	[hbm4b:s5+s2] =	stream.linear.scatter [tilespmem:s31], [sflag:$0x3], $0xA00, $0x38;
	[tilespmem:$0x16800] =	vst v63  }
0x134: {  	s12 =	rddreg [dreg:$0xb];
	s13 =	simm.s32 $0x7800;
	s5 =	sadd.s32 s1, s6  }
0x135: {  	[hbm4b:s5+s2] =	stream.linear.scatter [tilespmem:s11], [sflag:$0x3], $0xA00, $0x38;
	[tilespmem:$0x16800] =	vst v63  }
0x136: {  	s0 =	sshrl.u32 s0, $0x3;
	s14 =	rddreg [dreg:$0xd];
	s5 =	sadd.s32 s1, s12  }
0x137: {  	[hbm4b:s5+s2] =	stream.linear.scatter [tilespmem:s13], [sflag:$0x3], $0xA00, $0x38;
	[tilespmem:$0x16800] =	vst v63  }
0x138: {  	s15 =	simm.s32 $0x8200;
	s16 =	rddreg [dreg:$0xe];
	s5 =	sadd.s32 s1, s14  }
0x139: {  	[hbm4b:s5+s2] =	stream.linear.scatter [tilespmem:s15], [sflag:$0x3], $0xA00, $0x38;
	[tilespmem:$0x16800] =	vst v63  }
0x13a: {  	s0 =	sadd.s32 s4, s0;
	s17 =	simm.s32 $0x8C00;
	s1 =	sadd.s32 s1, s16  }
0x13b: {  	[hbm4b:s1+s2] =	stream.linear.scatter [tilespmem:s17], [sflag:$0x3], $0xA00, $0x38;
	[tilespmem:$0x16800] =	vst v63  }
0x13c: {  	s18 =	sadd.s32 $0x1080, s0;
	s19 =	simm.s32 $0x9600  }
0x13d: {  	[hbm4b:s18+s2] =	stream.linear.scatter [tilespmem:s19], [sflag:$0x3], $0xA00, $0x38;
	[tilespmem:$0x16800] =	vst v63  }
0x13e: {  	s21 =	simm.s32 $0xA000;
	s20 =	sadd.s32 $0x1200, s0  }
0x13f: {  	[hbm4b:s20+s2] =	stream.linear.scatter [tilespmem:s21], [sflag:$0x3], $0xA00, $0x38;
	[tilespmem:$0x16800] =	vst v63  }
0x140: {  	p0 =	seq.s32 s23, $0xF;
	s22 =	sadd.s32 $0x1380, s0;
	s28 =	simm.s32 $0xAA00  }
0x141: {  	[hbm4b:s22+s2] =	stream.linear.scatter [tilespmem:s28], [sflag:$0x3], $0xA00, $0x38;
	[tilespmem:$0x16800] =	vst v63  }
.Ltmp6:
0x142: {  	_ = 	snop;
	(pc) =	sbr.rel @p0 .LBB2_10-.Ltmp6, $4  }
0x143: {  	s29 =	sadd.s32 $0x1500, s0;
	s30 =	simm.s32 $0xB400  }
0x144: {  	[hbm4b:s29+s2] =	stream.linear.scatter [tilespmem:s30], [sflag:$0x3], $0xA00, $0x38;
	[tilespmem:$0x16800] =	vst v63  }
0x145: {  	s0 =	sadd.s32 $0x1680, s0;
	s31 =	simm.s32 $0xBE00  }
0x146: {  	[hbm4b:s0+s2] =	stream.linear.scatter [tilespmem:s31], [sflag:$0x3], $0xA00, $0x38;
	[tilespmem:$0x16800] =	vst v63  }
0x147: {  	s5 =	simm.s32 $0x3  }
0x148: {  	s0 =	simm.s32 $0x0;
	s1 =	sadd.s32 $0x0, s25;
	_ =	swait.ge [sflag:s5], $0xA000  }
0x149: {  	s1 =	sand.u32 $0xFF80, s1;
	s0 =	sand.u32 $0x70, s0;
	[sflag:s5] =	ssyncset.done $0x0  }
0x14a: {  	s0 =	sor.u32 s0, s1;
	[sflag:s5] =	ssyncadd.s32 $0xFFFF6000  }
0x14b: {  	v0 =	vld [tilespmem:s0+$0x0];
	_ =	sdelay $0x4  }
0x14c: {  	v0 =	vshll.u32 v0, $0x4  }
0x14d: {  	(v2sf) =	vpush v0, $0x0  }
0x14e: {  	(v2sf) =	vpush v0, $0x1  }
0x14f: {  	(v2sf) =	vpush v0, $0x2;
	_ =	sdelay $0x1  }
0x150: {  	(v2sf) =	vpush v0, $0x3;
	_ =	sdelay $0x2  }
0x151: {  	(v2sf) =	vpush v0, $0x4;
	_ =	sdelay $0x1  }
0x152: {  	(v2sf) =	vpush v0, $0x5;
	_ =	sdelay $0x1  }
0x153: {  	(v2sf) =	vpush v0, $0x6;
	_ =	sdelay $0x1  }
0x154: {  	s28 =	simm.s32 $0x2000;
	s29 =	simm.s32 $0x4000  }
0x155: {  	s30 =	simm.s32 $0x10;
	s31 =	simm.s32 $0x0;
	s9 =	simm.s32 $0x2880  }
0x156: {  	s10 =	simm.s32 $0x2B00;
	s11 =	simm.s32 $0x2B80;
	s6 =	spop (v2sf);
	(v2sf) =	vpush v0, $0x7  }
0x157: {  	s13 =	simm.s32 $0x2800;
	s6 =	sand.u32 $0x1FFFFFF0, s6;
	s12 =	spop (v2sf)  }
0x158: {  	s15 =	simm.s32 $0x2A00;
	(v2sf) =	vpush v0, $0x8;
	s6 =	sadd.s32 s3, s6;
	s16 =	spop (v2sf)  }
0x159: {  	(v2sf) =	vpush v0, $0x9;
	[tilespmem:s13], [sflag:$0x1] =	stream.linear.gather [hbm4b:s6+s2], $0x80, $0x38;
	[tilespmem:$0x16800] =	vst v63  }
0x15a: {  	s17 =	simm.s32 $0x2900;
	s12 =	sand.u32 $0x1FFFFFF0, s12;
	s19 =	spop (v2sf);
	(v2sf) =	vpush v0, $0xA  }
0x15b: {  	s20 =	simm.s32 $0x2980;
	s12 =	sadd.s32 s3, s12;
	s18 =	sand.u32 $0x1FFFFFF0, s16  }
0x15c: {  	[tilespmem:s9], [sflag:$0x1] =	stream.linear.gather [hbm4b:s12+s2], $0x80, $0x38;
	[tilespmem:$0x16800] =	vst v63  }
0x15d: {  	s13 =	sand.u32 $0x1FFFFFF0, s19;
	s14 =	spop (v2sf);
	s12 =	sadd.s32 s3, s18  }
0x15e: {  	[tilespmem:s17], [sflag:$0x1] =	stream.linear.gather [hbm4b:s12+s2], $0x80, $0x38;
	[tilespmem:$0x16800] =	vst v63  }
0x15f: {  	(v2sf) =	vpush v0, $0xB;
	s21 =	sand.u32 $0x1FFFFFF0, s14;
	s13 =	sadd.s32 s3, s13;
	s22 =	spop (v2sf)  }
0x160: {  	[tilespmem:s20], [sflag:$0x1] =	stream.linear.gather [hbm4b:s13+s2], $0x80, $0x38;
	[tilespmem:$0x16800] =	vst v63  }
0x161: {  	s0 =	sand.u32 $0x1FFFFFF0, s22;
	s8 =	spop (v2sf);
	s12 =	sadd.s32 s3, s21  }
0x162: {  	[tilespmem:s15], [sflag:$0x1] =	stream.linear.gather [hbm4b:s12+s2], $0x80, $0x38;
	[tilespmem:$0x16800] =	vst v63  }
0x163: {  	s7 =	simm.s32 $0x2A80;
	(v2sf) =	vpush v0, $0xC;
	s0 =	sadd.s32 s3, s0;
	s12 =	sand.u32 $0x1FFFFFF0, s8  }
0x164: {  	[tilespmem:s7], [sflag:$0x1] =	stream.linear.gather [hbm4b:s0+s2], $0x80, $0x38;
	[tilespmem:$0x16800] =	vst v63  }
0x165: {  	s1 =	sadd.s32 $0x10, s25;
	s12 =	sadd.s32 s3, s12;
	s9 =	spop (v2sf);
	(v2sf) =	vpush v0, $0xD  }
0x166: {  	[tilespmem:s10], [sflag:$0x1] =	stream.linear.gather [hbm4b:s12+s2], $0x80, $0x38;
	[tilespmem:$0x16800] =	vst v63  }
0x167: {  	s1 =	sand.u32 $0xFF80, s1;
	s14 =	simm.s32 $0x2D00;
	s12 =	spop (v2sf);
	(v2sf) =	vpush v0, $0xE  }
0x168: {  	s18 =	simm.s32 $0x2C80;
	s17 =	simm.s32 $0x2D80;
	s13 =	spop (v2sf)  }
0x169: {  	s21 =	simm.s32 $0x2E00;
	s10 =	sand.u32 $0x1FFFFFF0, s9;
	s19 =	spop (v2sf);
	(v2sf) =	vpush v0, $0xF  }
0x16a: {  	s15 =	simm.s32 $0x2C00;
	s6 =	sand.u32 $0x1FFFFFF0, s12;
	s5 =	sadd.s32 s3, s10  }
0x16b: {  	[tilespmem:s11], [sflag:$0x1] =	stream.linear.gather [hbm4b:s5+s2], $0x80, $0x38;
	[tilespmem:$0x16800] =	vst v63  }
0x16c: {  	s0 =	simm.s32 $0x2F80;
	s16 =	sand.u32 $0x1FFFFFF0, s13;
	s6 =	sadd.s32 s3, s6  }
0x16d: {  	[tilespmem:s15], [sflag:$0x1] =	stream.linear.gather [hbm4b:s6+s2], $0x80, $0x38;
	[tilespmem:$0x16800] =	vst v63  }
0x16e: {  	s11 =	sadd.s32 s3, s16;
	s20 =	sand.u32 $0x1FFFFFF0, s19;
	s22 =	spop (v2sf)  }
0x16f: {  	[tilespmem:s18], [sflag:$0x1] =	stream.linear.gather [hbm4b:s11+s2], $0x80, $0x38;
	[tilespmem:$0x16800] =	vst v63  }
0x170: {  	s12 =	sadd.s32 s3, s20;
	s18 =	simm.s32 $0x2E80;
	s11 =	sand.u32 $0x1FFFFFF0, s22  }
.LBB2_8:
0x171: {  	p0 =	sne.s32 s29, $0x26000  }
0x172: {  	s5 =	sand.u32 $0x70, s30;
	s6 =	spop (v2sf);
	s13 =	smov.u32 s29  }
0x173: {  	[tilespmem:s14], [sflag:$0x1] =	stream.linear.gather [hbm4b:s12+s2], $0x80, $0x38;
	[tilespmem:$0x16800] =	vst v63  }
0x174: {  	s11 =	sadd.s32 s3, s11;
	s6 =	sand.u32 $0x1FFFFFF0, s6;
	s12 =	spop (v2sf)  }
0x175: {  	[tilespmem:s17], [sflag:$0x1] =	stream.linear.gather [hbm4b:s11+s2], $0x80, $0x38;
	[tilespmem:$0x16800] =	vst v63  }
0x176: {  	s6 =	sadd.s32 s3, s6;
	s11 =	sand.u32 $0x1FFFFFF0, s12;
	s12 =	spop (v2sf)  }
0x177: {  	[tilespmem:s21], [sflag:$0x1] =	stream.linear.gather [hbm4b:s6+s2], $0x80, $0x38;
	[tilespmem:$0x16800] =	vst v63  }
0x178: {  	s6 =	sadd.s32 s3, s11;
	s11 =	sand.u32 $0x1FFFFFF0, s12;
	s12 =	spop (v2sf)  }
0x179: {  	[tilespmem:s18], [sflag:$0x1] =	stream.linear.gather [hbm4b:s6+s2], $0x80, $0x38;
	[tilespmem:$0x16800] =	vst v63  }
0x17a: {  	s11 =	sadd.s32 s3, s11;
	s6 =	sadd.s32 $0x2F00, s31;
	s12 =	sand.u32 $0x1FFFFFF0, s12  }
0x17b: {  	[tilespmem:s6], [sflag:$0x1] =	stream.linear.gather [hbm4b:s11+s2], $0x80, $0x38;
	[tilespmem:$0x16800] =	vst v63  }
0x17c: {  	s29 =	sadd.s32 $0x2000, s29;
	s1 =	sor.u32 s5, s1;
	s5 =	sadd.s32 s3, s12  }
0x17d: {  	[tilespmem:s0], [sflag:$0x1] =	stream.linear.gather [hbm4b:s5+s2], $0x80, $0x38;
	[tilespmem:$0x16800] =	vst v63  }
0x17e: {  	v0 =	vld [tilespmem:s1+$0x0];
	_ =	sdelay $0x4  }
0x17f: {  	v0 =	vshll.u32 v0, $0x4  }
0x180: {  	(v2sf) =	vpush v0, $0x0  }
0x181: {  	(v2sf) =	vpush v0, $0x1  }
0x182: {  	(v2sf) =	vpush v0, $0x2  }
0x183: {  	(v2sf) =	vpush v0, $0x3;
	_ =	sdelay $0x1  }
0x184: {  	(v2sf) =	vpush v0, $0x4;
	_ =	sdelay $0x1  }
0x185: {  	s30 =	sadd.s32 $0x10, s30;
	(v2sf) =	vpush v0, $0x5  }
0x186: {  	s31 =	sshra.s32 s28, $0x2;
	s28 =	smov.u32 s13;
	s1 =	sadd.s32 s30, s25  }
0x187: {  	s22 =	sadd.s32 $0x2B80, s31;
	s11 =	sadd.s32 $0x2B00, s31;
	s5 =	sadd.s32 $0x2880, s31;
	(v2sf) =	vpush v0, $0x6  }
0x188: {  	s16 =	sadd.s32 $0x2A00, s31;
	s14 =	sadd.s32 $0x2D00, s31;
	s6 =	sadd.s32 $0x2800, s31  }
0x189: {  	s15 =	sadd.s32 $0x2A80, s31;
	s17 =	sadd.s32 $0x2D80, s31;
	s0 =	sadd.s32 $0x2F80, s31;
	(v2sf) =	vpush v0, $0x7  }
0x18a: {  	s12 =	sadd.s32 $0x2C00, s31;
	s21 =	sadd.s32 $0x2E00, s31;
	s1 =	sand.u32 $0xFF80, s1  }
0x18b: {  	s18 =	sadd.s32 $0x2E80, s31;
	(v2sf) =	vpush v0, $0x8  }
0x18c: {  	s13 =	sadd.s32 $0x2C80, s31  }
0x18d: {  	s19 =	sadd.s32 $0x2980, s31;
	s20 =	spop (v2sf);
	(v2sf) =	vpush v0, $0x9  }
0x18e: {  	s20 =	sand.u32 $0x1FFFFFF0, s20;
	s7 =	spop (v2sf)  }
0x18f: {  	s8 =	sadd.s32 $0x2900, s31;
	s7 =	sand.u32 $0x1FFFFFF0, s7;
	s9 =	spop (v2sf);
	(v2sf) =	vpush v0, $0xA  }
0x190: {  	s20 =	sadd.s32 s3, s20;
	s9 =	sand.u32 $0x1FFFFFF0, s9;
	s10 =	spop (v2sf)  }
0x191: {  	[tilespmem:s6], [sflag:$0x1] =	stream.linear.gather [hbm4b:s20+s2], $0x80, $0x38;
	(v2sf) =	vpush v0, $0xB;
	[tilespmem:$0x16800] =	vst v63  }
0x192: {  	s6 =	sadd.s32 s3, s7;
	s7 =	sand.u32 $0x1FFFFFF0, s10;
	s10 =	spop (v2sf)  }
0x193: {  	[tilespmem:s5], [sflag:$0x1] =	stream.linear.gather [hbm4b:s6+s2], $0x80, $0x38;
	[tilespmem:$0x16800] =	vst v63  }
0x194: {  	s5 =	sadd.s32 s3, s9;
	s6 =	sand.u32 $0x1FFFFFF0, s10;
	s9 =	spop (v2sf)  }
0x195: {  	[tilespmem:s8], [sflag:$0x1] =	stream.linear.gather [hbm4b:s5+s2], $0x80, $0x38;
	(v2sf) =	vpush v0, $0xC;
	[tilespmem:$0x16800] =	vst v63  }
0x196: {  	s5 =	sadd.s32 s3, s7;
	s7 =	sand.u32 $0x1FFFFFF0, s9;
	s8 =	spop (v2sf)  }
0x197: {  	[tilespmem:s19], [sflag:$0x1] =	stream.linear.gather [hbm4b:s5+s2], $0x80, $0x38;
	(v2sf) =	vpush v0, $0xD;
	[tilespmem:$0x16800] =	vst v63  }
0x198: {  	s5 =	sadd.s32 s3, s6;
	s6 =	sand.u32 $0x1FFFFFF0, s8;
	s8 =	spop (v2sf)  }
0x199: {  	[tilespmem:s16], [sflag:$0x1] =	stream.linear.gather [hbm4b:s5+s2], $0x80, $0x38;
	(v2sf) =	vpush v0, $0xE;
	[tilespmem:$0x16800] =	vst v63  }
0x19a: {  	s5 =	sadd.s32 s3, s7;
	s7 =	sand.u32 $0x1FFFFFF0, s8;
	s8 =	spop (v2sf)  }
0x19b: {  	[tilespmem:s15], [sflag:$0x1] =	stream.linear.gather [hbm4b:s5+s2], $0x80, $0x38;
	(v2sf) =	vpush v0, $0xF;
	[tilespmem:$0x16800] =	vst v63  }
0x19c: {  	s5 =	sadd.s32 s3, s6;
	s6 =	sand.u32 $0x1FFFFFF0, s8;
	s8 =	spop (v2sf)  }
0x19d: {  	[tilespmem:s11], [sflag:$0x1] =	stream.linear.gather [hbm4b:s5+s2], $0x80, $0x38;
	[tilespmem:$0x16800] =	vst v63  }
0x19e: {  	s5 =	sadd.s32 s3, s7;
	s7 =	sand.u32 $0x1FFFFFF0, s8;
	s8 =	spop (v2sf)  }
0x19f: {  	[tilespmem:s22], [sflag:$0x1] =	stream.linear.gather [hbm4b:s5+s2], $0x80, $0x38;
	[tilespmem:$0x16800] =	vst v63  }
.Ltmp7:
0x1a0: {  	_ = 	snop;
	(pc) =	sbr.rel @p0 .LBB2_8-.Ltmp7, $4  }
0x1a1: {  	s5 =	sadd.s32 s3, s6;
	s6 =	sand.u32 $0x1FFFFFF0, s8;
	s8 =	spop (v2sf)  }
0x1a2: {  	[tilespmem:s12], [sflag:$0x1] =	stream.linear.gather [hbm4b:s5+s2], $0x80, $0x38;
	[tilespmem:$0x16800] =	vst v63  }
0x1a3: {  	s5 =	sadd.s32 s3, s7;
	s12 =	sadd.s32 s3, s6;
	s11 =	sand.u32 $0x1FFFFFF0, s8  }
0x1a4: {  	[tilespmem:s13], [sflag:$0x1] =	stream.linear.gather [hbm4b:s5+s2], $0x80, $0x38;
	[tilespmem:$0x16800] =	vst v63  }
0x1a5: {  	s5 =	sand.u32 $0x70, s30;
	s6 =	spop (v2sf)  }
0x1a6: {  	[tilespmem:s14], [sflag:$0x1] =	stream.linear.gather [hbm4b:s12+s2], $0x80, $0x38;
	[tilespmem:$0x16800] =	vst v63  }
0x1a7: {  	s7 =	sadd.s32 s3, s11;
	s6 =	sand.u32 $0x1FFFFFF0, s6;
	s8 =	spop (v2sf)  }
0x1a8: {  	[tilespmem:s17], [sflag:$0x1] =	stream.linear.gather [hbm4b:s7+s2], $0x80, $0x38;
	[tilespmem:$0x16800] =	vst v63  }
0x1a9: {  	s6 =	sadd.s32 s3, s6;
	s14 =	sand.u32 $0x1FFFFFF0, s8;
	s15 =	spop (v2sf)  }
0x1aa: {  	[tilespmem:s21], [sflag:$0x1] =	stream.linear.gather [hbm4b:s6+s2], $0x80, $0x38;
	[tilespmem:$0x16800] =	vst v63  }
0x1ab: {  	s16 =	sadd.s32 s3, s14;
	s17 =	sand.u32 $0x1FFFFFF0, s15;
	s19 =	spop (v2sf)  }
0x1ac: {  	[tilespmem:s18], [sflag:$0x1] =	stream.linear.gather [hbm4b:s16+s2], $0x80, $0x38;
	[tilespmem:$0x16800] =	vst v63  }
0x1ad: {  	s20 =	sadd.s32 $0x2F00, s31;
	s7 =	sadd.s32 s3, s17;
	s8 =	sand.u32 $0x1FFFFFF0, s19  }
0x1ae: {  	[tilespmem:s20], [sflag:$0x1] =	stream.linear.gather [hbm4b:s7+s2], $0x80, $0x38;
	[tilespmem:$0x16800] =	vst v63  }
0x1af: {  	s1 =	sor.u32 s5, s1;
	s21 =	sadd.s32 s3, s8  }
0x1b0: {  	[tilespmem:s0], [sflag:$0x1] =	stream.linear.gather [hbm4b:s21+s2], $0x80, $0x38;
	[tilespmem:$0x16800] =	vst v63  }
0x1b1: {  	v0 =	vld [tilespmem:s1+$0x0];
	_ =	sdelay $0x4  }
0x1b2: {  	v0 =	vshll.u32 v0, $0x4  }
0x1b3: {  	(v2sf) =	vpush v0, $0x0  }
0x1b4: {  	(v2sf) =	vpush v0, $0x1  }
0x1b5: {  	(v2sf) =	vpush v0, $0x2;
	_ =	sdelay $0x1  }
0x1b6: {  	(v2sf) =	vpush v0, $0x3;
	_ =	sdelay $0x1  }
0x1b7: {  	(v2sf) =	vpush v0, $0x4;
	_ =	sdelay $0x1  }
0x1b8: {  	(v2sf) =	vpush v0, $0x5;
	_ =	sdelay $0x1  }
0x1b9: {  	(v2sf) =	vpush v0, $0x6  }
0x1ba: {  	s0 =	sshra.s32 s28, $0x2  }
0x1bb: {  	s22 =	sadd.s32 $0x2880, s0;
	s6 =	sadd.s32 $0x2B00, s0;
	s7 =	sadd.s32 $0x2B80, s0;
	(v2sf) =	vpush v0, $0x7  }
0x1bc: {  	s28 =	sadd.s32 $0x2800, s0;
	s9 =	sadd.s32 $0x2A00, s0;
	s13 =	sadd.s32 $0x2D00, s0  }
0x1bd: {  	s10 =	sadd.s32 $0x2A80, s0;
	s12 =	sadd.s32 $0x2D80, s0;
	s14 =	sadd.s32 $0x2C00, s0;
	(v2sf) =	vpush v0, $0x8  }
0x1be: {  	s11 =	sadd.s32 $0x2E00, s0;
	s30 =	sadd.s32 $0x2980, s0;
	s15 =	spop (v2sf)  }
0x1bf: {  	s19 =	sadd.s32 $0x2900, s0;
	(v2sf) =	vpush v0, $0x9;
	s29 =	spop (v2sf);
	s15 =	sand.u32 $0x1FFFFFF0, s15  }
0x1c0: {  	(v2sf) =	vpush v0, $0xA;
	s17 =	sand.u32 $0x1FFFFFF0, s29;
	s20 =	spop (v2sf);
	s15 =	sadd.s32 s3, s15  }
0x1c1: {  	[tilespmem:s28], [sflag:$0x1] =	stream.linear.gather [hbm4b:s15+s2], $0x80, $0x38;
	[tilespmem:$0x16800] =	vst v63  }
0x1c2: {  	s31 =	sand.u32 $0x1FFFFFF0, s20;
	s20 =	spop (v2sf);
	s17 =	sadd.s32 s3, s17  }
0x1c3: {  	[tilespmem:s22], [sflag:$0x1] =	stream.linear.gather [hbm4b:s17+s2], $0x80, $0x38;
	[tilespmem:$0x16800] =	vst v63  }
0x1c4: {  	(v2sf) =	vpush v0, $0xB;
	s21 =	sand.u32 $0x1FFFFFF0, s20;
	s8 =	sadd.s32 s3, s31;
	s22 =	spop (v2sf)  }
0x1c5: {  	[tilespmem:s19], [sflag:$0x1] =	stream.linear.gather [hbm4b:s8+s2], $0x80, $0x38;
	[tilespmem:$0x16800] =	vst v63  }
0x1c6: {  	(v2sf) =	vpush v0, $0xC;
	s5 =	sadd.s32 s3, s21;
	s28 =	sand.u32 $0x1FFFFFF0, s22;
	s29 =	spop (v2sf)  }
0x1c7: {  	[tilespmem:s30], [sflag:$0x1] =	stream.linear.gather [hbm4b:s5+s2], $0x80, $0x38;
	[tilespmem:$0x16800] =	vst v63  }
0x1c8: {  	(v2sf) =	vpush v0, $0xD;
	s31 =	spop (v2sf);
	s8 =	sadd.s32 s3, s28;
	s30 =	sand.u32 $0x1FFFFFF0, s29  }
0x1c9: {  	[tilespmem:s9], [sflag:$0x1] =	stream.linear.gather [hbm4b:s8+s2], $0x80, $0x38;
	[tilespmem:$0x16800] =	vst v63  }
0x1ca: {  	s17 =	sand.u32 $0x1FFFFFF0, s31;
	s18 =	spop (v2sf);
	s5 =	sadd.s32 s3, s30  }
0x1cb: {  	[tilespmem:s10], [sflag:$0x1] =	stream.linear.gather [hbm4b:s5+s2], $0x80, $0x38;
	[tilespmem:$0x16800] =	vst v63  }
0x1cc: {  	s1 =	sadd.s32 $0x2E80, s0;
	(v2sf) =	vpush v0, $0xE;
	s20 =	spop (v2sf);
	s8 =	sadd.s32 s3, s17  }
0x1cd: {  	[tilespmem:s6], [sflag:$0x1] =	stream.linear.gather [hbm4b:s8+s2], $0x80, $0x38;
	[tilespmem:$0x16800] =	vst v63  }
0x1ce: {  	s16 =	sadd.s32 $0x2C80, s0;
	(v2sf) =	vpush v0, $0xF;
	s19 =	sand.u32 $0x1FFFFFF0, s18;
	s22 =	spop (v2sf)  }
0x1cf: {  	s21 =	sand.u32 $0x1FFFFFF0, s20;
	s5 =	sadd.s32 s3, s19;
	s29 =	spop (v2sf)  }
0x1d0: {  	[tilespmem:s7], [sflag:$0x1] =	stream.linear.gather [hbm4b:s5+s2], $0x80, $0x38;
	[tilespmem:$0x16800] =	vst v63  }
0x1d1: {  	s6 =	sadd.s32 s3, s21;
	s28 =	sand.u32 $0x1FFFFFF0, s22;
	s30 =	sand.u32 $0x1FFFFFF0, s29  }
0x1d2: {  	[tilespmem:s14], [sflag:$0x1] =	stream.linear.gather [hbm4b:s6+s2], $0x80, $0x38;
	[tilespmem:$0x16800] =	vst v63  }
0x1d3: {  	s31 =	spop (v2sf);
	s5 =	sadd.s32 s3, s28;
	s28 =	sadd.s32 $0x2F00, s0  }
0x1d4: {  	[tilespmem:s16], [sflag:$0x1] =	stream.linear.gather [hbm4b:s5+s2], $0x80, $0x38;
	[tilespmem:$0x16800] =	vst v63  }
0x1d5: {  	s8 =	sadd.s32 s3, s30;
	s9 =	sand.u32 $0x1FFFFFF0, s31;
	s10 =	spop (v2sf)  }
0x1d6: {  	[tilespmem:s13], [sflag:$0x1] =	stream.linear.gather [hbm4b:s8+s2], $0x80, $0x38;
	[tilespmem:$0x16800] =	vst v63  }
0x1d7: {  	s14 =	sadd.s32 s3, s9;
	s15 =	sand.u32 $0x1FFFFFF0, s10;
	s16 =	spop (v2sf)  }
0x1d8: {  	[tilespmem:s12], [sflag:$0x1] =	stream.linear.gather [hbm4b:s14+s2], $0x80, $0x38;
	[tilespmem:$0x16800] =	vst v63  }
0x1d9: {  	s7 =	rddreg [dreg:$0x3];
	s17 =	sadd.s32 s3, s15;
	s18 =	sand.u32 $0x1FFFFFF0, s16  }
0x1da: {  	[tilespmem:s11], [sflag:$0x1] =	stream.linear.gather [hbm4b:s17+s2], $0x80, $0x38;
	[tilespmem:$0x16800] =	vst v63  }
0x1db: {  	s9 =	rddreg [dreg:$0x4];
	s19 =	spop (v2sf);
	s20 =	sadd.s32 s3, s18  }
0x1dc: {  	[tilespmem:s1], [sflag:$0x1] =	stream.linear.gather [hbm4b:s20+s2], $0x80, $0x38;
	[tilespmem:$0x16800] =	vst v63  }
.Ltmp8:
0x1dd: {  	s21 =	sand.u32 $0x1FFFFFF0, s19;
	s22 =	spop (v2sf);
	(pc) =	sbr.rel .LBB2_10-.Ltmp8, $4  }
0x1de: {  	s10 =	rddreg [dreg:$0x5];
	s29 =	sadd.s32 s3, s21;
	s30 =	sand.u32 $0x1FFFFFF0, s22  }
0x1df: {  	[tilespmem:s28], [sflag:$0x1] =	stream.linear.gather [hbm4b:s29+s2], $0x80, $0x38;
	[tilespmem:$0x16800] =	vst v63  }
0x1e0: {  	s0 =	sadd.s32 $0x2F80, s0;
	s8 =	rddreg [dreg:$0x6];
	s31 =	sadd.s32 s3, s30  }
0x1e1: {  	[tilespmem:s0], [sflag:$0x1] =	stream.linear.gather [hbm4b:s31+s2], $0x80, $0x38;
	[tilespmem:$0x16800] =	vst v63  }
.LBB2_12:
0x1e2: {  	_ =	sfence.sel $0x180000  }
0x1e3: {  	[bflag:$0x0] =	sbarrier.arrive $0xFFFF  }
0x1e4: {  	_ =	strace $0x90000047  }
0x1e5: {  	s0 =	stileid.u32;
	[bflag:$0x2] =	sbarrier.arrive $0xFFFF  }
0x1e6: {  	p0 =	sne.s32 s0, $0x0;
	s0 =	rddreg [dreg:$0x2]  }
0x1e7: {  	s0 =	sadd.s32 @!p0 $0x100000, s0  }
0x1e8: {  	[sflag:s0] =	ssyncadd.tile.s32 @!p0 $0x1;
	_ =	shalt  }
.Lfunc_end2:
_tile_overlayer_lowered:
.L_overlay_start_2:
0x1e9: {  	(tag) =	ssettag $0x2  }
0x1ea: {  	s0 =	rddreg [dreg:$0x0];
	s2 =	stileid.u32  }
0x1eb: {  	s1 =	rddreg [dreg:$0x1];
	p0 =	sne.s32 s2, $0x0  }
0x1ec: {  	s3 =	rddreg [dreg:$0x2];
	[bflag:$0x3] =	sbarrier.arrive $0xFFFF;
	s2 =	simm.s32 @!p0 $0x1C05  }
0x1ed: {  	[timem:s3], [sflag:s2] =	dma.local @!p0 [hbm:s0], s1  }
0x1ee: {  	s0 =	simm.s32 @!p0 $0x5  }
0x1ef: {  	_ =	swait.ge @!p0 [sflag:s0], s1  }
0x1f0: {  	s1 =	ssub.s32 @!p0 $0x0, s1;
	[sflag:s0] =	ssyncset.done @!p0 $0x0  }
0x1f1: {  	[sflag:s0] =	ssyncadd.s32 @!p0 s1  }
0x1f2: {  	[bflag:$0x3] =	sbarrier.arrive $0xFFFF  }
0x1f3: {  	_ =	shalt  }

</sc_bundles>
